<compile_context>
chip_gen: v7x
topology: tpu7x:2x2x1
jax: 0.10.2.dev20260603
libtpu: 0.0.44.dev20260713+nightly
codegen_flags: <defaults>
</compile_context>

<pallas_src>
import functools

import jax
import jax.numpy as jnp
from jax import lax
from jax.experimental import pallas as pl
from jax.experimental.pallas import tpu as pltpu
from jax.experimental.pallas import tpu_sc as plsc

D = 32
NS = 5
NC = 2
NSUB = 16
NW = NC * NSUB
CH = 160
GRP = 16


def _sc_logits(node_table, ctx_table, nid, oid, xid, r_total):
    rw = r_total // NW
    nchunk = rw // CH

    mesh = plsc.VectorSubcoreMesh(
        core_axis_name="c", subcore_axis_name="s",
        num_cores=NC, num_subcores=NSUB)

    @functools.partial(
        pl.kernel,
        out_type=jax.ShapeDtypeStruct((6, r_total), jnp.float32),
        mesh=mesh,
        compiler_params=pltpu.CompilerParams(
            needs_layout_passes=False, use_tc_tiling_on_sc=False,
            disable_bounds_checks=True),
        scratch_types=[
            pltpu.VMEM((rw,), jnp.int32),
            pltpu.VMEM((rw,), jnp.int32),
            pltpu.VMEM((rw * NS,), jnp.int32),
            pltpu.VMEM((2, CH, D), jnp.float32),
            pltpu.VMEM((2, CH, D), jnp.float32),
            pltpu.VMEM((2, CH * NS, D), jnp.float32),
            pltpu.VMEM((6 * rw,), jnp.float32),
            pltpu.SemaphoreType.DMA,
        ],
    )
    def body(node_hbm, ctx_hbm, nid_hbm, oid_hbm, xid_hbm, t_hbm,
             nidx_v, oidx_v, xidx_v, node_v, out_v, noise_v, t_v, sem):
        wid = lax.axis_index("s") * NC + lax.axis_index("c")
        pltpu.sync_copy(nid_hbm.at[pl.ds(wid * rw, rw)], nidx_v)
        pltpu.sync_copy(oid_hbm.at[pl.ds(wid * rw, rw)], oidx_v)
        pltpu.sync_copy(xid_hbm.at[pl.ds(wid * rw * NS, rw * NS)], xidx_v)

        lane = lax.iota(jnp.int32, GRP)

        def fire(c, slot):
            pltpu.async_copy(
                node_hbm.at[nidx_v.at[pl.ds(c * CH, CH)]],
                node_v.at[slot], sem)
            pltpu.async_copy(
                ctx_hbm.at[oidx_v.at[pl.ds(c * CH, CH)]],
                out_v.at[slot], sem)
            pltpu.async_copy(
                ctx_hbm.at[xidx_v.at[pl.ds(c * CH * NS, CH * NS)]],
                noise_v.at[slot], sem)

        def wait_chunk(c, slot):
            pltpu.make_async_copy(
                node_hbm.at[nidx_v.at[pl.ds(c * CH, CH)]],
                node_v.at[slot], sem).wait()
            pltpu.make_async_copy(
                ctx_hbm.at[oidx_v.at[pl.ds(c * CH, CH)]],
                out_v.at[slot], sem).wait()
            pltpu.make_async_copy(
                ctx_hbm.at[xidx_v.at[pl.ds(c * CH * NS, CH * NS)]],
                noise_v.at[slot], sem).wait()

        fire(0, 0)

        def chunk_body(c, carry):
            slot = lax.rem(c, 2)

            @pl.when(c + 1 < nchunk)
            def _():
                fire(c + 1, 1 - slot)

            wait_chunk(c, slot)
            svec = jnp.full((GRP,), 0, jnp.int32) + slot

            def group_body(g, gcarry):
                row16 = g * GRP + lane
                nrows = [row16 * NS + s for s in range(NS)]
                accs = [jnp.zeros((GRP,), jnp.float32) for _ in range(6)]
                for d in range(D):
                    dcol = jnp.full((GRP,), d, jnp.int32)
                    vi = plsc.load_gather(node_v, [svec, row16, dcol])
                    vo = plsc.load_gather(out_v, [svec, row16, dcol])
                    accs[0] = accs[0] + vi * vo
                    for s in range(NS):
                        vn = plsc.load_gather(
                            noise_v, [svec, nrows[s], dcol])
                        accs[1 + s] = accs[1 + s] + vi * vn
                base = c * CH + g * GRP
                for k in range(6):
                    t_v[pl.ds(k * rw + base, GRP)] = accs[k]
                return gcarry

            lax.fori_loop(0, CH // GRP, group_body, 0)
            return carry

        lax.fori_loop(0, nchunk, chunk_body, 0)
        for k in range(6):
            pltpu.sync_copy(t_v.at[pl.ds(k * rw, rw)],
                            t_hbm.at[k, pl.ds(wid * rw, rw)])

    return body(node_table, ctx_table, nid, oid, xid)


def _tc_reduce(t, batch):

    def body(t_ref, o_ref):
        x = t_ref[...]
        pos = x[0:1, :]
        neg = x[1:6, :]

        def logsig(z):
            return jnp.minimum(z, 0.0) - jnp.log(1.0 + jnp.exp(-jnp.abs(z)))

        total = jnp.sum(logsig(pos)) + jnp.sum(logsig(-neg))
        o_ref[0, 0] = -total / batch

    out = pl.pallas_call(
        body,
        out_shape=jax.ShapeDtypeStruct((1, 1), jnp.float32),
        out_specs=pl.BlockSpec(memory_space=pltpu.SMEM),
    )(t)
    return out[0, 0]


def kernel(input_labels, out_labels, noise_idx, num_sampled, node_table,
           ctx_table):
    b, w = out_labels.shape
    r_total = b * w
    nid = jnp.tile(input_labels.astype(jnp.int32), w)
    oid = out_labels.reshape(-1).astype(jnp.int32)
    xid = noise_idx.astype(jnp.int32).reshape(-1)
    t = _sc_logits(node_table, ctx_table, nid, oid, xid, r_total)
    return _tc_reduce(t, b)

# --- scband reference (transcript-rebuilt; emitter-appended) ---
"""Pipeline reference for scband-context2-vec-84189948936357 (READ-ONLY COPY).

The authoritative reference and input builder live on the scoring server;
editing this copy changes nothing except your own understanding.
"""

import jax, jax.numpy as jnp
import numpy as np

VOCAB = 1000000
DIM = 32
BATCH = 16384
WINDOW = 5
NUM_SAMPLED = 5


def setup_inputs(seed: int = 0) -> dict:
    key = jax.random.key(seed)
    k1, k2, k3, k4, k5 = jax.random.split(key, 5)
    input_labels = jax.random.randint(k1, (BATCH,), 0, VOCAB)
    out_labels = jax.random.randint(k2, (BATCH, WINDOW), 0, VOCAB)
    noise_idx = jax.random.randint(k3, (BATCH * WINDOW, NUM_SAMPLED), 0, VOCAB)
    node_table = jax.random.normal(k4, (VOCAB, DIM), dtype=jnp.float32) * 0.02
    ctx_table = jax.random.normal(k5, (VOCAB, DIM), dtype=jnp.float32) * 0.02
    return {
        "input_labels": input_labels,
        "out_labels": out_labels,
        "noise_idx": noise_idx,
        "num_sampled": NUM_SAMPLED,
        "node_table": node_table,
        "ctx_table": ctx_table,
    }


def reference(input_labels, out_labels, noise_idx, num_sampled, node_table, ctx_table):
    B, W = out_labels.shape
    # torch: input_labels.repeat(1, window_size).view(-1) on a 1-D tensor tiles the
    # whole vector W times (NOT repeat_interleave); kept faithful with jnp.tile.
    tiled_in = jnp.tile(input_labels, W)  # [B*W]
    inp = jnp.take(node_table, tiled_in, axis=0)            # [B*W, D]
    output = jnp.take(ctx_table, out_labels.reshape(-1), axis=0)  # [B*W, D]
    noise = -jnp.take(ctx_table, noise_idx, axis=0)         # [B*W, num_sampled, D]
    log_target = jnp.log(jax.nn.sigmoid(jnp.sum(inp * output, axis=1)))  # [B*W]
    # bmm(noise, inp.unsqueeze(2)).sigmoid().log().sum(1).squeeze()
    scores = jnp.einsum("bsd,bd->bs", noise, inp)           # [B*W, num_sampled]
    sum_log_sampled = jnp.sum(jnp.log(jax.nn.sigmoid(scores)), axis=1)  # [B*W]
    loss = log_target + sum_log_sampled
    return -jnp.sum(loss) / B


if False:  # reference __main__ guard neutralized (emitter)
    out = reference(**setup_inputs())
    print(out)

if __name__ == "__main__":
    import jax
    _d = setup_inputs()
    print(jax.jit(kernel)(*tuple(_d.values())))

</pallas_src>

<mosaic_0001>
#map = affine_map<(d0, d1) -> (0, 0)>
#map1 = affine_map<(d0, d1) -> (0)>
module attributes {stable_mosaic.version = 14 : i64} {
  func.func @body(%arg0: i32, %arg1: i32, %arg2: memref<1000000x32xf32, #tpu.memory_space<hbm>>, %arg3: memref<1000000x32xf32, #tpu.memory_space<hbm>>, %arg4: memref<81920xi32, #tpu.memory_space<hbm>>, %arg5: memref<81920xi32, #tpu.memory_space<hbm>>, %arg6: memref<409600xi32, #tpu.memory_space<hbm>>, %arg7: memref<6x81920xf32, #tpu.memory_space<hbm>>, %arg8: memref<2560xi32, #tpu.memory_space<vmem>>, %arg9: memref<2560xi32, #tpu.memory_space<vmem>>, %arg10: memref<12800xi32, #tpu.memory_space<vmem>>, %arg11: memref<2x160x32xf32, #tpu.memory_space<vmem>>, %arg12: memref<2x160x32xf32, #tpu.memory_space<vmem>>, %arg13: memref<2x800x32xf32, #tpu.memory_space<vmem>>, %arg14: memref<15360xf32, #tpu.memory_space<vmem>>, %arg15: memref<!tpu.dma_semaphore, #tpu.memory_space<semaphore_mem>>) attributes {dimension_semantics = [#tpu.dimension_semantics<core_parallel>, #tpu.dimension_semantics<subcore_parallel>], iteration_bounds = array<i64: 2, 16>, scalar_prefetch = 0 : i64, scratch_operands = 8 : i64, tpu.core_type = #tpu.core_type<sc_vector_subcore>, window_params = [{transform_indices = #map}, {transform_indices = #map}, {transform_indices = #map1}, {transform_indices = #map1}, {transform_indices = #map1}, {transform_indices = #map}]} {
    %mul3A = arith.constant 2 : i32
    %mul3A_0 = arith.muli %arg1, %mul3A : i32
    %add3A = arith.addi %mul3A_0, %arg0 : i32
    %mul3A_1 = arith.constant 2560 : i32
    %mul3A_2 = arith.muli %add3A, %mul3A_1 : i32
    "tpu.region"() ({
      %run_scoped3A_60 = tpu.sem_alloc : memref<!tpu.dma_semaphore, #tpu.memory_space<semaphore_mem>>
      %dma_start3A_61 = tpu.memref_slice %arg4[%mul3A_2] : memref<81920xi32, #tpu.memory_space<hbm>> -> memref<2560xi32, #tpu.memory_space<hbm>>
      %dma_start3A_62 = tpu.memref_slice %arg4[%mul3A_2] : memref<81920xi32, #tpu.memory_space<hbm>> -> memref<2560xi32, #tpu.memory_space<hbm>>
      tpu.enqueue_dma source(%dma_start3A_62 : memref<2560xi32, #tpu.memory_space<hbm>>) target(%arg8 : memref<2560xi32, #tpu.memory_space<vmem>>) target_semaphore(%run_scoped3A_60 : memref<!tpu.dma_semaphore, #tpu.memory_space<semaphore_mem>>)
      %dma_wait3A = tpu.memref_slice %arg4[%mul3A_2] : memref<81920xi32, #tpu.memory_space<hbm>> -> memref<2560xi32, #tpu.memory_space<hbm>>
      %dma_wait3A_63 = tpu.memref_slice %arg4[%mul3A_2] : memref<81920xi32, #tpu.memory_space<hbm>> -> memref<2560xi32, #tpu.memory_space<hbm>>
      tpu.wait_dma2 semaphore(%run_scoped3A_60 : memref<!tpu.dma_semaphore, #tpu.memory_space<semaphore_mem>>) src(%dma_wait3A_63 : memref<2560xi32, #tpu.memory_space<hbm>>) dst(%arg8 : memref<2560xi32, #tpu.memory_space<vmem>>)
      tpu.yield
    }) : () -> ()
    %mul3A_3 = arith.constant 2560 : i32
    %mul3A_4 = arith.muli %add3A, %mul3A_3 : i32
    "tpu.region"() ({
      %run_scoped3A_60 = tpu.sem_alloc : memref<!tpu.dma_semaphore, #tpu.memory_space<semaphore_mem>>
      %dma_start3A_61 = tpu.memref_slice %arg5[%mul3A_4] : memref<81920xi32, #tpu.memory_space<hbm>> -> memref<2560xi32, #tpu.memory_space<hbm>>
      %dma_start3A_62 = tpu.memref_slice %arg5[%mul3A_4] : memref<81920xi32, #tpu.memory_space<hbm>> -> memref<2560xi32, #tpu.memory_space<hbm>>
      tpu.enqueue_dma source(%dma_start3A_62 : memref<2560xi32, #tpu.memory_space<hbm>>) target(%arg9 : memref<2560xi32, #tpu.memory_space<vmem>>) target_semaphore(%run_scoped3A_60 : memref<!tpu.dma_semaphore, #tpu.memory_space<semaphore_mem>>)
      %dma_wait3A = tpu.memref_slice %arg5[%mul3A_4] : memref<81920xi32, #tpu.memory_space<hbm>> -> memref<2560xi32, #tpu.memory_space<hbm>>
      %dma_wait3A_63 = tpu.memref_slice %arg5[%mul3A_4] : memref<81920xi32, #tpu.memory_space<hbm>> -> memref<2560xi32, #tpu.memory_space<hbm>>
      tpu.wait_dma2 semaphore(%run_scoped3A_60 : memref<!tpu.dma_semaphore, #tpu.memory_space<semaphore_mem>>) src(%dma_wait3A_63 : memref<2560xi32, #tpu.memory_space<hbm>>) dst(%arg9 : memref<2560xi32, #tpu.memory_space<vmem>>)
      tpu.yield
    }) : () -> ()
    %mul3A_5 = arith.constant 2560 : i32
    %mul3A_6 = arith.muli %add3A, %mul3A_5 : i32
    %mul3A_7 = arith.constant 5 : i32
    %mul3A_8 = arith.muli %mul3A_6, %mul3A_7 : i32
    "tpu.region"() ({
      %run_scoped3A_60 = tpu.sem_alloc : memref<!tpu.dma_semaphore, #tpu.memory_space<semaphore_mem>>
      %dma_start3A_61 = tpu.memref_slice %arg6[%mul3A_8] : memref<409600xi32, #tpu.memory_space<hbm>> -> memref<12800xi32, #tpu.memory_space<hbm>>
      %dma_start3A_62 = tpu.memref_slice %arg6[%mul3A_8] : memref<409600xi32, #tpu.memory_space<hbm>> -> memref<12800xi32, #tpu.memory_space<hbm>>
      tpu.enqueue_dma source(%dma_start3A_62 : memref<12800xi32, #tpu.memory_space<hbm>>) target(%arg10 : memref<12800xi32, #tpu.memory_space<vmem>>) target_semaphore(%run_scoped3A_60 : memref<!tpu.dma_semaphore, #tpu.memory_space<semaphore_mem>>)
      %dma_wait3A = tpu.memref_slice %arg6[%mul3A_8] : memref<409600xi32, #tpu.memory_space<hbm>> -> memref<12800xi32, #tpu.memory_space<hbm>>
      %dma_wait3A_63 = tpu.memref_slice %arg6[%mul3A_8] : memref<409600xi32, #tpu.memory_space<hbm>> -> memref<12800xi32, #tpu.memory_space<hbm>>
      tpu.wait_dma2 semaphore(%run_scoped3A_60 : memref<!tpu.dma_semaphore, #tpu.memory_space<semaphore_mem>>) src(%dma_wait3A_63 : memref<12800xi32, #tpu.memory_space<hbm>>) dst(%arg10 : memref<12800xi32, #tpu.memory_space<vmem>>)
      tpu.yield
    }) : () -> ()
    %iota3A = tpu.iota {dimensions = array<i32: 0>} : vector<16xi32>
    %dma_start3A = arith.constant 0 : i32
    %dma_start3A_9 = arith.constant 0 : i32
    %dma_start3A_10 = arith.constant 0 : i32
    %dma_start3A_11 = tpu.memref_slice %arg11[%dma_start3A, %dma_start3A_9, %dma_start3A_10] : memref<2x160x32xf32, #tpu.memory_space<vmem>> -> memref<1x160x32xf32, #tpu.memory_space<vmem>>
    %dma_start3A_12 = tpu.memref_squeeze %dma_start3A_11 : memref<1x160x32xf32, #tpu.memory_space<vmem>> -> memref<160x32xf32, #tpu.memory_space<vmem>>
    %dma_start3A_13 = arith.constant 0 : i32
    %dma_start3A_14 = tpu.memref_slice %arg8[%dma_start3A_13] : memref<2560xi32, #tpu.memory_space<vmem>> -> memref<160xi32, #tpu.memory_space<vmem>>
    %dma_start3A_15 = arith.constant 0 : i32
    %dma_start3A_16 = arith.constant 0 : i32
    %dma_start3A_17 = tpu.memref_slice %arg2[%dma_start3A_15, %dma_start3A_16] : memref<1000000x32xf32, #tpu.memory_space<hbm>> -> memref<1000000x32xf32, #tpu.memory_space<hbm>>
    tpu.enqueue_indirect_dma source(%dma_start3A_17 : memref<1000000x32xf32, #tpu.memory_space<hbm>>) target(%dma_start3A_12 : memref<160x32xf32, #tpu.memory_space<vmem>>) offsets(%dma_start3A_14 : memref<160xi32, #tpu.memory_space<vmem>>) semaphore(%arg15 : memref<!tpu.dma_semaphore, #tpu.memory_space<semaphore_mem>>)
    %dma_start3A_18 = arith.constant 0 : i32
    %dma_start3A_19 = arith.constant 0 : i32
    %dma_start3A_20 = arith.constant 0 : i32
    %dma_start3A_21 = tpu.memref_slice %arg12[%dma_start3A_18, %dma_start3A_19, %dma_start3A_20] : memref<2x160x32xf32, #tpu.memory_space<vmem>> -> memref<1x160x32xf32, #tpu.memory_space<vmem>>
    %dma_start3A_22 = tpu.memref_squeeze %dma_start3A_21 : memref<1x160x32xf32, #tpu.memory_space<vmem>> -> memref<160x32xf32, #tpu.memory_space<vmem>>
    %dma_start3A_23 = arith.constant 0 : i32
    %dma_start3A_24 = tpu.memref_slice %arg9[%dma_start3A_23] : memref<2560xi32, #tpu.memory_space<vmem>> -> memref<160xi32, #tpu.memory_space<vmem>>
    %dma_start3A_25 = arith.constant 0 : i32
    %dma_start3A_26 = arith.constant 0 : i32
    %dma_start3A_27 = tpu.memref_slice %arg3[%dma_start3A_25, %dma_start3A_26] : memref<1000000x32xf32, #tpu.memory_space<hbm>> -> memref<1000000x32xf32, #tpu.memory_space<hbm>>
    tpu.enqueue_indirect_dma source(%dma_start3A_27 : memref<1000000x32xf32, #tpu.memory_space<hbm>>) target(%dma_start3A_22 : memref<160x32xf32, #tpu.memory_space<vmem>>) offsets(%dma_start3A_24 : memref<160xi32, #tpu.memory_space<vmem>>) semaphore(%arg15 : memref<!tpu.dma_semaphore, #tpu.memory_space<semaphore_mem>>)
    %dma_start3A_28 = arith.constant 0 : i32
    %dma_start3A_29 = arith.constant 0 : i32
    %dma_start3A_30 = arith.constant 0 : i32
    %dma_start3A_31 = tpu.memref_slice %arg13[%dma_start3A_28, %dma_start3A_29, %dma_start3A_30] : memref<2x800x32xf32, #tpu.memory_space<vmem>> -> memref<1x800x32xf32, #tpu.memory_space<vmem>>
    %dma_start3A_32 = tpu.memref_squeeze %dma_start3A_31 : memref<1x800x32xf32, #tpu.memory_space<vmem>> -> memref<800x32xf32, #tpu.memory_space<vmem>>
    %dma_start3A_33 = arith.constant 0 : i32
    %dma_start3A_34 = tpu.memref_slice %arg10[%dma_start3A_33] : memref<12800xi32, #tpu.memory_space<vmem>> -> memref<800xi32, #tpu.memory_space<vmem>>
    %dma_start3A_35 = arith.constant 0 : i32
    %dma_start3A_36 = arith.constant 0 : i32
    %dma_start3A_37 = tpu.memref_slice %arg3[%dma_start3A_35, %dma_start3A_36] : memref<1000000x32xf32, #tpu.memory_space<hbm>> -> memref<1000000x32xf32, #tpu.memory_space<hbm>>
    tpu.enqueue_indirect_dma source(%dma_start3A_37 : memref<1000000x32xf32, #tpu.memory_space<hbm>>) target(%dma_start3A_32 : memref<800x32xf32, #tpu.memory_space<vmem>>) offsets(%dma_start3A_34 : memref<800xi32, #tpu.memory_space<vmem>>) semaphore(%arg15 : memref<!tpu.dma_semaphore, #tpu.memory_space<semaphore_mem>>)
    %scan3A = arith.constant 0 : i32
    %scan3A_38 = arith.constant 0 : i32
    %scan3A_39 = arith.constant 16 : i32
    %scan3A_40 = arith.addi %scan3A_38, %scan3A_39 : i32
    %scan3A_41 = arith.constant 1 : i32
    scf.for %scan3A_60 = %scan3A_38 to %scan3A_40 step %scan3A_41  : i32 {
      %rem3A = arith.constant 2 : i32
      %rem3A_61 = arith.remsi %scan3A_60, %rem3A : i32
      %add3A_62 = arith.constant 1 : i32
      %add3A_63 = arith.addi %scan3A_60, %add3A_62 : i32
      %lt3A = arith.constant 16 : i32
      %lt3A_64 = arith.cmpi slt, %add3A_63, %lt3A : i32
      %convert_element_type3A = arith.extui %lt3A_64 : i1 to i32
      %cond3A = arith.constant 0 : i32
      %cond3A_65 = arith.cmpi ne, %convert_element_type3A, %cond3A : i32
      scf.if %cond3A_65 {
        %add3A_106 = arith.constant 1 : i32
        %add3A_107 = arith.addi %scan3A_60, %add3A_106 : i32
        %sub3A = arith.constant 1 : i32
        %sub3A_108 = arith.subi %sub3A, %rem3A_61 : i32
        %mul3A_109 = arith.constant 160 : i32
        %mul3A_110 = arith.muli %add3A_107, %mul3A_109 : i32
        %dma_start3A_111 = arith.constant 0 : i32
        %dma_start3A_112 = arith.constant 0 : i32
        %dma_start3A_113 = tpu.memref_slice %arg11[%sub3A_108, %dma_start3A_111, %dma_start3A_112] : memref<2x160x32xf32, #tpu.memory_space<vmem>> -> memref<1x160x32xf32, #tpu.memory_space<vmem>>
        %dma_start3A_114 = tpu.memref_squeeze %dma_start3A_113 : memref<1x160x32xf32, #tpu.memory_space<vmem>> -> memref<160x32xf32, #tpu.memory_space<vmem>>
        %dma_start3A_115 = tpu.memref_slice %arg8[%mul3A_110] : memref<2560xi32, #tpu.memory_space<vmem>> -> memref<160xi32, #tpu.memory_space<vmem>>
        %dma_start3A_116 = arith.constant 0 : i32
        %dma_start3A_117 = arith.constant 0 : i32
        %dma_start3A_118 = tpu.memref_slice %arg2[%dma_start3A_116, %dma_start3A_117] : memref<1000000x32xf32, #tpu.memory_space<hbm>> -> memref<1000000x32xf32, #tpu.memory_space<hbm>>
        tpu.enqueue_indirect_dma source(%dma_start3A_118 : memref<1000000x32xf32, #tpu.memory_space<hbm>>) target(%dma_start3A_114 : memref<160x32xf32, #tpu.memory_space<vmem>>) offsets(%dma_start3A_115 : memref<160xi32, #tpu.memory_space<vmem>>) semaphore(%arg15 : memref<!tpu.dma_semaphore, #tpu.memory_space<semaphore_mem>>)
        %mul3A_119 = arith.constant 160 : i32
        %mul3A_120 = arith.muli %add3A_107, %mul3A_119 : i32
        %dma_start3A_121 = arith.constant 0 : i32
        %dma_start3A_122 = arith.constant 0 : i32
        %dma_start3A_123 = tpu.memref_slice %arg12[%sub3A_108, %dma_start3A_121, %dma_start3A_122] : memref<2x160x32xf32, #tpu.memory_space<vmem>> -> memref<1x160x32xf32, #tpu.memory_space<vmem>>
        %dma_start3A_124 = tpu.memref_squeeze %dma_start3A_123 : memref<1x160x32xf32, #tpu.memory_space<vmem>> -> memref<160x32xf32, #tpu.memory_space<vmem>>
        %dma_start3A_125 = tpu.memref_slice %arg9[%mul3A_120] : memref<2560xi32, #tpu.memory_space<vmem>> -> memref<160xi32, #tpu.memory_space<vmem>>
        %dma_start3A_126 = arith.constant 0 : i32
        %dma_start3A_127 = arith.constant 0 : i32
        %dma_start3A_128 = tpu.memref_slice %arg3[%dma_start3A_126, %dma_start3A_127] : memref<1000000x32xf32, #tpu.memory_space<hbm>> -> memref<1000000x32xf32, #tpu.memory_space<hbm>>
        tpu.enqueue_indirect_dma source(%dma_start3A_128 : memref<1000000x32xf32, #tpu.memory_space<hbm>>) target(%dma_start3A_124 : memref<160x32xf32, #tpu.memory_space<vmem>>) offsets(%dma_start3A_125 : memref<160xi32, #tpu.memory_space<vmem>>) semaphore(%arg15 : memref<!tpu.dma_semaphore, #tpu.memory_space<semaphore_mem>>)
        %mul3A_129 = arith.constant 160 : i32
        %mul3A_130 = arith.muli %add3A_107, %mul3A_129 : i32
        %mul3A_131 = arith.constant 5 : i32
        %mul3A_132 = arith.muli %mul3A_130, %mul3A_131 : i32
        %dma_start3A_133 = arith.constant 0 : i32
        %dma_start3A_134 = arith.constant 0 : i32
        %dma_start3A_135 = tpu.memref_slice %arg13[%sub3A_108, %dma_start3A_133, %dma_start3A_134] : memref<2x800x32xf32, #tpu.memory_space<vmem>> -> memref<1x800x32xf32, #tpu.memory_space<vmem>>
        %dma_start3A_136 = tpu.memref_squeeze %dma_start3A_135 : memref<1x800x32xf32, #tpu.memory_space<vmem>> -> memref<800x32xf32, #tpu.memory_space<vmem>>
        %dma_start3A_137 = tpu.memref_slice %arg10[%mul3A_132] : memref<12800xi32, #tpu.memory_space<vmem>> -> memref<800xi32, #tpu.memory_space<vmem>>
        %dma_start3A_138 = arith.constant 0 : i32
        %dma_start3A_139 = arith.constant 0 : i32
        %dma_start3A_140 = tpu.memref_slice %arg3[%dma_start3A_138, %dma_start3A_139] : memref<1000000x32xf32, #tpu.memory_space<hbm>> -> memref<1000000x32xf32, #tpu.memory_space<hbm>>
        tpu.enqueue_indirect_dma source(%dma_start3A_140 : memref<1000000x32xf32, #tpu.memory_space<hbm>>) target(%dma_start3A_136 : memref<800x32xf32, #tpu.memory_space<vmem>>) offsets(%dma_start3A_137 : memref<800xi32, #tpu.memory_space<vmem>>) semaphore(%arg15 : memref<!tpu.dma_semaphore, #tpu.memory_space<semaphore_mem>>)
      } else {
      }
      %mul3A_66 = arith.constant 160 : i32
      %mul3A_67 = arith.muli %scan3A_60, %mul3A_66 : i32
      %dma_wait3A = arith.constant 0 : i32
      %dma_wait3A_68 = arith.constant 0 : i32
      %dma_wait3A_69 = tpu.memref_slice %arg11[%rem3A_61, %dma_wait3A, %dma_wait3A_68] : memref<2x160x32xf32, #tpu.memory_space<vmem>> -> memref<1x160x32xf32, #tpu.memory_space<vmem>>
      %dma_wait3A_70 = tpu.memref_squeeze %dma_wait3A_69 : memref<1x160x32xf32, #tpu.memory_space<vmem>> -> memref<160x32xf32, #tpu.memory_space<vmem>>
      %dma_wait3A_71 = tpu.memref_slice %arg8[%mul3A_67] : memref<2560xi32, #tpu.memory_space<vmem>> -> memref<160xi32, #tpu.memory_space<vmem>>
      %dma_wait3A_72 = arith.constant 0 : i32
      %dma_wait3A_73 = arith.constant 0 : i32
      %dma_wait3A_74 = tpu.memref_slice %arg2[%dma_wait3A_72, %dma_wait3A_73] : memref<1000000x32xf32, #tpu.memory_space<hbm>> -> memref<1000000x32xf32, #tpu.memory_space<hbm>>
      tpu.wait_indirect_dma semaphore(%arg15 : memref<!tpu.dma_semaphore, #tpu.memory_space<semaphore_mem>>) src(%dma_wait3A_74 : memref<1000000x32xf32, #tpu.memory_space<hbm>>) dst(%dma_wait3A_70 : memref<160x32xf32, #tpu.memory_space<vmem>>)
      %mul3A_75 = arith.constant 160 : i32
      %mul3A_76 = arith.muli %scan3A_60, %mul3A_75 : i32
      %dma_wait3A_77 = arith.constant 0 : i32
      %dma_wait3A_78 = arith.constant 0 : i32
      %dma_wait3A_79 = tpu.memref_slice %arg12[%rem3A_61, %dma_wait3A_77, %dma_wait3A_78] : memref<2x160x32xf32, #tpu.memory_space<vmem>> -> memref<1x160x32xf32, #tpu.memory_space<vmem>>
      %dma_wait3A_80 = tpu.memref_squeeze %dma_wait3A_79 : memref<1x160x32xf32, #tpu.memory_space<vmem>> -> memref<160x32xf32, #tpu.memory_space<vmem>>
      %dma_wait3A_81 = tpu.memref_slice %arg9[%mul3A_76] : memref<2560xi32, #tpu.memory_space<vmem>> -> memref<160xi32, #tpu.memory_space<vmem>>
      %dma_wait3A_82 = arith.constant 0 : i32
      %dma_wait3A_83 = arith.constant 0 : i32
      %dma_wait3A_84 = tpu.memref_slice %arg3[%dma_wait3A_82, %dma_wait3A_83] : memref<1000000x32xf32, #tpu.memory_space<hbm>> -> memref<1000000x32xf32, #tpu.memory_space<hbm>>
      tpu.wait_indirect_dma semaphore(%arg15 : memref<!tpu.dma_semaphore, #tpu.memory_space<semaphore_mem>>) src(%dma_wait3A_84 : memref<1000000x32xf32, #tpu.memory_space<hbm>>) dst(%dma_wait3A_80 : memref<160x32xf32, #tpu.memory_space<vmem>>)
      %mul3A_85 = arith.constant 160 : i32
      %mul3A_86 = arith.muli %scan3A_60, %mul3A_85 : i32
      %mul3A_87 = arith.constant 5 : i32
      %mul3A_88 = arith.muli %mul3A_86, %mul3A_87 : i32
      %dma_wait3A_89 = arith.constant 0 : i32
      %dma_wait3A_90 = arith.constant 0 : i32
      %dma_wait3A_91 = tpu.memref_slice %arg13[%rem3A_61, %dma_wait3A_89, %dma_wait3A_90] : memref<2x800x32xf32, #tpu.memory_space<vmem>> -> memref<1x800x32xf32, #tpu.memory_space<vmem>>
      %dma_wait3A_92 = tpu.memref_squeeze %dma_wait3A_91 : memref<1x800x32xf32, #tpu.memory_space<vmem>> -> memref<800x32xf32, #tpu.memory_space<vmem>>
      %dma_wait3A_93 = tpu.memref_slice %arg10[%mul3A_88] : memref<12800xi32, #tpu.memory_space<vmem>> -> memref<800xi32, #tpu.memory_space<vmem>>
      %dma_wait3A_94 = arith.constant 0 : i32
      %dma_wait3A_95 = arith.constant 0 : i32
      %dma_wait3A_96 = tpu.memref_slice %arg3[%dma_wait3A_94, %dma_wait3A_95] : memref<1000000x32xf32, #tpu.memory_space<hbm>> -> memref<1000000x32xf32, #tpu.memory_space<hbm>>
      tpu.wait_indirect_dma semaphore(%arg15 : memref<!tpu.dma_semaphore, #tpu.memory_space<semaphore_mem>>) src(%dma_wait3A_96 : memref<1000000x32xf32, #tpu.memory_space<hbm>>) dst(%dma_wait3A_92 : memref<800x32xf32, #tpu.memory_space<vmem>>)
      %broadcast_in_dim3A = arith.constant 0 : i32
      %broadcast_in_dim3A_97 = vector.broadcast %broadcast_in_dim3A : i32 to vector<16xi32>
      %add3A_98 = vector.broadcast %rem3A_61 : i32 to vector<16xi32>
      %add3A_99 = arith.addi %broadcast_in_dim3A_97, %add3A_98 : vector<16xi32>
      %scan3A_100 = arith.constant 0 : i32
      %scan3A_101 = arith.constant 0 : i32
      %scan3A_102 = arith.constant 10 : i32
      %scan3A_103 = arith.addi %scan3A_101, %scan3A_102 : i32
      %scan3A_104 = arith.constant 1 : i32
      scf.for %scan3A_106 = %scan3A_101 to %scan3A_103 step %scan3A_104  : i32 {
        %mul3A_107 = arith.constant 16 : i32
        %mul3A_108 = arith.muli %scan3A_106, %mul3A_107 : i32
        %add3A_109 = vector.broadcast %mul3A_108 : i32 to vector<16xi32>
        %add3A_110 = arith.addi %add3A_109, %iota3A : vector<16xi32>
        %mul3A_111 = arith.constant 5 : i32
        %mul3A_112 = vector.broadcast %mul3A_111 : i32 to vector<16xi32>
        %mul3A_113 = arith.muli %add3A_110, %mul3A_112 : vector<16xi32>
        %add3A_114 = arith.constant 0 : i32
        %add3A_115 = vector.broadcast %add3A_114 : i32 to vector<16xi32>
        %add3A_116 = arith.addi %mul3A_113, %add3A_115 : vector<16xi32>
        %mul3A_117 = arith.constant 5 : i32
        %mul3A_118 = vector.broadcast %mul3A_117 : i32 to vector<16xi32>
        %mul3A_119 = arith.muli %add3A_110, %mul3A_118 : vector<16xi32>
        %add3A_120 = arith.constant 1 : i32
        %add3A_121 = vector.broadcast %add3A_120 : i32 to vector<16xi32>
        %add3A_122 = arith.addi %mul3A_119, %add3A_121 : vector<16xi32>
        %mul3A_123 = arith.constant 5 : i32
        %mul3A_124 = vector.broadcast %mul3A_123 : i32 to vector<16xi32>
        %mul3A_125 = arith.muli %add3A_110, %mul3A_124 : vector<16xi32>
        %add3A_126 = arith.constant 2 : i32
        %add3A_127 = vector.broadcast %add3A_126 : i32 to vector<16xi32>
        %add3A_128 = arith.addi %mul3A_125, %add3A_127 : vector<16xi32>
        %mul3A_129 = arith.constant 5 : i32
        %mul3A_130 = vector.broadcast %mul3A_129 : i32 to vector<16xi32>
        %mul3A_131 = arith.muli %add3A_110, %mul3A_130 : vector<16xi32>
        %add3A_132 = arith.constant 3 : i32
        %add3A_133 = vector.broadcast %add3A_132 : i32 to vector<16xi32>
        %add3A_134 = arith.addi %mul3A_131, %add3A_133 : vector<16xi32>
        %mul3A_135 = arith.constant 5 : i32
        %mul3A_136 = vector.broadcast %mul3A_135 : i32 to vector<16xi32>
        %mul3A_137 = arith.muli %add3A_110, %mul3A_136 : vector<16xi32>
        %add3A_138 = arith.constant 4 : i32
        %add3A_139 = vector.broadcast %add3A_138 : i32 to vector<16xi32>
        %add3A_140 = arith.addi %mul3A_137, %add3A_139 : vector<16xi32>
        %broadcast_in_dim3A_141 = arith.constant 0.000000e+00 : f32
        %broadcast_in_dim3A_142 = vector.broadcast %broadcast_in_dim3A_141 : f32 to vector<16xf32>
        %broadcast_in_dim3A_143 = arith.constant 0.000000e+00 : f32
        %broadcast_in_dim3A_144 = vector.broadcast %broadcast_in_dim3A_143 : f32 to vector<16xf32>
        %broadcast_in_dim3A_145 = arith.constant 0.000000e+00 : f32
        %broadcast_in_dim3A_146 = vector.broadcast %broadcast_in_dim3A_145 : f32 to vector<16xf32>
        %broadcast_in_dim3A_147 = arith.constant 0.000000e+00 : f32
        %broadcast_in_dim3A_148 = vector.broadcast %broadcast_in_dim3A_147 : f32 to vector<16xf32>
        %broadcast_in_dim3A_149 = arith.constant 0.000000e+00 : f32
        %broadcast_in_dim3A_150 = vector.broadcast %broadcast_in_dim3A_149 : f32 to vector<16xf32>
        %broadcast_in_dim3A_151 = arith.constant 0.000000e+00 : f32
        %broadcast_in_dim3A_152 = vector.broadcast %broadcast_in_dim3A_151 : f32 to vector<16xf32>
        %broadcast_in_dim3A_153 = arith.constant 0 : i32
        %broadcast_in_dim3A_154 = vector.broadcast %broadcast_in_dim3A_153 : i32 to vector<16xi32>
        %gather3A = tpu.vector_load_idx %arg11[%add3A_99, %add3A_110, %broadcast_in_dim3A_154] : memref<2x160x32xf32, #tpu.memory_space<vmem>>[vector<16xi32>, vector<16xi32>, vector<16xi32>], vector<16xf32>,
        %gather3A_155 = tpu.vector_load_idx %arg12[%add3A_99, %add3A_110, %broadcast_in_dim3A_154] : memref<2x160x32xf32, #tpu.memory_space<vmem>>[vector<16xi32>, vector<16xi32>, vector<16xi32>], vector<16xf32>,
        %mul3A_156 = arith.mulf %gather3A, %gather3A_155 : vector<16xf32>
        %add3A_157 = arith.addf %broadcast_in_dim3A_142, %mul3A_156 : vector<16xf32>
        %gather3A_158 = tpu.vector_load_idx %arg13[%add3A_99, %add3A_116, %broadcast_in_dim3A_154] : memref<2x800x32xf32, #tpu.memory_space<vmem>>[vector<16xi32>, vector<16xi32>, vector<16xi32>], vector<16xf32>,
        %mul3A_159 = arith.mulf %gather3A, %gather3A_158 : vector<16xf32>
        %add3A_160 = arith.addf %broadcast_in_dim3A_144, %mul3A_159 : vector<16xf32>
        %gather3A_161 = tpu.vector_load_idx %arg13[%add3A_99, %add3A_122, %broadcast_in_dim3A_154] : memref<2x800x32xf32, #tpu.memory_space<vmem>>[vector<16xi32>, vector<16xi32>, vector<16xi32>], vector<16xf32>,
        %mul3A_162 = arith.mulf %gather3A, %gather3A_161 : vector<16xf32>
        %add3A_163 = arith.addf %broadcast_in_dim3A_146, %mul3A_162 : vector<16xf32>
        %gather3A_164 = tpu.vector_load_idx %arg13[%add3A_99, %add3A_128, %broadcast_in_dim3A_154] : memref<2x800x32xf32, #tpu.memory_space<vmem>>[vector<16xi32>, vector<16xi32>, vector<16xi32>], vector<16xf32>,
        %mul3A_165 = arith.mulf %gather3A, %gather3A_164 : vector<16xf32>
        %add3A_166 = arith.addf %broadcast_in_dim3A_148, %mul3A_165 : vector<16xf32>
        %gather3A_167 = tpu.vector_load_idx %arg13[%add3A_99, %add3A_134, %broadcast_in_dim3A_154] : memref<2x800x32xf32, #tpu.memory_space<vmem>>[vector<16xi32>, vector<16xi32>, vector<16xi32>], vector<16xf32>,
        %mul3A_168 = arith.mulf %gather3A, %gather3A_167 : vector<16xf32>
        %add3A_169 = arith.addf %broadcast_in_dim3A_150, %mul3A_168 : vector<16xf32>
        %gather3A_170 = tpu.vector_load_idx %arg13[%add3A_99, %add3A_140, %broadcast_in_dim3A_154] : memref<2x800x32xf32, #tpu.memory_space<vmem>>[vector<16xi32>, vector<16xi32>, vector<16xi32>], vector<16xf32>,
        %mul3A_171 = arith.mulf %gather3A, %gather3A_170 : vector<16xf32>
        %add3A_172 = arith.addf %broadcast_in_dim3A_152, %mul3A_171 : vector<16xf32>
        %broadcast_in_dim3A_173 = arith.constant 1 : i32
        %broadcast_in_dim3A_174 = vector.broadcast %broadcast_in_dim3A_173 : i32 to vector<16xi32>
        %gather3A_175 = tpu.vector_load_idx %arg11[%add3A_99, %add3A_110, %broadcast_in_dim3A_174] : memref<2x160x32xf32, #tpu.memory_space<vmem>>[vector<16xi32>, vector<16xi32>, vector<16xi32>], vector<16xf32>,
        %gather3A_176 = tpu.vector_load_idx %arg12[%add3A_99, %add3A_110, %broadcast_in_dim3A_174] : memref<2x160x32xf32, #tpu.memory_space<vmem>>[vector<16xi32>, vector<16xi32>, vector<16xi32>], vector<16xf32>,
        %mul3A_177 = arith.mulf %gather3A_175, %gather3A_176 : vector<16xf32>
        %add3A_178 = arith.addf %add3A_157, %mul3A_177 : vector<16xf32>
        %gather3A_179 = tpu.vector_load_idx %arg13[%add3A_99, %add3A_116, %broadcast_in_dim3A_174] : memref<2x800x32xf32, #tpu.memory_space<vmem>>[vector<16xi32>, vector<16xi32>, vector<16xi32>], vector<16xf32>,
        %mul3A_180 = arith.mulf %gather3A_175, %gather3A_179 : vector<16xf32>
        %add3A_181 = arith.addf %add3A_160, %mul3A_180 : vector<16xf32>
        %gather3A_182 = tpu.vector_load_idx %arg13[%add3A_99, %add3A_122, %broadcast_in_dim3A_174] : memref<2x800x32xf32, #tpu.memory_space<vmem>>[vector<16xi32>, vector<16xi32>, vector<16xi32>], vector<16xf32>,
        %mul3A_183 = arith.mulf %gather3A_175, %gather3A_182 : vector<16xf32>
        %add3A_184 = arith.addf %add3A_163, %mul3A_183 : vector<16xf32>
        %gather3A_185 = tpu.vector_load_idx %arg13[%add3A_99, %add3A_128, %broadcast_in_dim3A_174] : memref<2x800x32xf32, #tpu.memory_space<vmem>>[vector<16xi32>, vector<16xi32>, vector<16xi32>], vector<16xf32>,
        %mul3A_186 = arith.mulf %gather3A_175, %gather3A_185 : vector<16xf32>
        %add3A_187 = arith.addf %add3A_166, %mul3A_186 : vector<16xf32>
        %gather3A_188 = tpu.vector_load_idx %arg13[%add3A_99, %add3A_134, %broadcast_in_dim3A_174] : memref<2x800x32xf32, #tpu.memory_space<vmem>>[vector<16xi32>, vector<16xi32>, vector<16xi32>], vector<16xf32>,
        %mul3A_189 = arith.mulf %gather3A_175, %gather3A_188 : vector<16xf32>
        %add3A_190 = arith.addf %add3A_169, %mul3A_189 : vector<16xf32>
        %gather3A_191 = tpu.vector_load_idx %arg13[%add3A_99, %add3A_140, %broadcast_in_dim3A_174] : memref<2x800x32xf32, #tpu.memory_space<vmem>>[vector<16xi32>, vector<16xi32>, vector<16xi32>], vector<16xf32>,
        %mul3A_192 = arith.mulf %gather3A_175, %gather3A_191 : vector<16xf32>
        %add3A_193 = arith.addf %add3A_172, %mul3A_192 : vector<16xf32>
        %broadcast_in_dim3A_194 = arith.constant 2 : i32
        %broadcast_in_dim3A_195 = vector.broadcast %broadcast_in_dim3A_194 : i32 to vector<16xi32>
        %gather3A_196 = tpu.vector_load_idx %arg11[%add3A_99, %add3A_110, %broadcast_in_dim3A_195] : memref<2x160x32xf32, #tpu.memory_space<vmem>>[vector<16xi32>, vector<16xi32>, vector<16xi32>], vector<16xf32>,
        %gather3A_197 = tpu.vector_load_idx %arg12[%add3A_99, %add3A_110, %broadcast_in_dim3A_195] : memref<2x160x32xf32, #tpu.memory_space<vmem>>[vector<16xi32>, vector<16xi32>, vector<16xi32>], vector<16xf32>,
        %mul3A_198 = arith.mulf %gather3A_196, %gather3A_197 : vector<16xf32>
        %add3A_199 = arith.addf %add3A_178, %mul3A_198 : vector<16xf32>
        %gather3A_200 = tpu.vector_load_idx %arg13[%add3A_99, %add3A_116, %broadcast_in_dim3A_195] : memref<2x800x32xf32, #tpu.memory_space<vmem>>[vector<16xi32>, vector<16xi32>, vector<16xi32>], vector<16xf32>,
        %mul3A_201 = arith.mulf %gather3A_196, %gather3A_200 : vector<16xf32>
        %add3A_202 = arith.addf %add3A_181, %mul3A_201 : vector<16xf32>
        %gather3A_203 = tpu.vector_load_idx %arg13[%add3A_99, %add3A_122, %broadcast_in_dim3A_195] : memref<2x800x32xf32, #tpu.memory_space<vmem>>[vector<16xi32>, vector<16xi32>, vector<16xi32>], vector<16xf32>,
        %mul3A_204 = arith.mulf %gather3A_196, %gather3A_203 : vector<16xf32>
        %add3A_205 = arith.addf %add3A_184, %mul3A_204 : vector<16xf32>
        %gather3A_206 = tpu.vector_load_idx %arg13[%add3A_99, %add3A_128, %broadcast_in_dim3A_195] : memref<2x800x32xf32, #tpu.memory_space<vmem>>[vector<16xi32>, vector<16xi32>, vector<16xi32>], vector<16xf32>,
        %mul3A_207 = arith.mulf %gather3A_196, %gather3A_206 : vector<16xf32>
        %add3A_208 = arith.addf %add3A_187, %mul3A_207 : vector<16xf32>
        %gather3A_209 = tpu.vector_load_idx %arg13[%add3A_99, %add3A_134, %broadcast_in_dim3A_195] : memref<2x800x32xf32, #tpu.memory_space<vmem>>[vector<16xi32>, vector<16xi32>, vector<16xi32>], vector<16xf32>,
        %mul3A_210 = arith.mulf %gather3A_196, %gather3A_209 : vector<16xf32>
        %add3A_211 = arith.addf %add3A_190, %mul3A_210 : vector<16xf32>
        %gather3A_212 = tpu.vector_load_idx %arg13[%add3A_99, %add3A_140, %broadcast_in_dim3A_195] : memref<2x800x32xf32, #tpu.memory_space<vmem>>[vector<16xi32>, vector<16xi32>, vector<16xi32>], vector<16xf32>,
        %mul3A_213 = arith.mulf %gather3A_196, %gather3A_212 : vector<16xf32>
        %add3A_214 = arith.addf %add3A_193, %mul3A_213 : vector<16xf32>
        %broadcast_in_dim3A_215 = arith.constant 3 : i32
        %broadcast_in_dim3A_216 = vector.broadcast %broadcast_in_dim3A_215 : i32 to vector<16xi32>
        %gather3A_217 = tpu.vector_load_idx %arg11[%add3A_99, %add3A_110, %broadcast_in_dim3A_216] : memref<2x160x32xf32, #tpu.memory_space<vmem>>[vector<16xi32>, vector<16xi32>, vector<16xi32>], vector<16xf32>,
        %gather3A_218 = tpu.vector_load_idx %arg12[%add3A_99, %add3A_110, %broadcast_in_dim3A_216] : memref<2x160x32xf32, #tpu.memory_space<vmem>>[vector<16xi32>, vector<16xi32>, vector<16xi32>], vector<16xf32>,
        %mul3A_219 = arith.mulf %gather3A_217, %gather3A_218 : vector<16xf32>
        %add3A_220 = arith.addf %add3A_199, %mul3A_219 : vector<16xf32>
        %gather3A_221 = tpu.vector_load_idx %arg13[%add3A_99, %add3A_116, %broadcast_in_dim3A_216] : memref<2x800x32xf32, #tpu.memory_space<vmem>>[vector<16xi32>, vector<16xi32>, vector<16xi32>], vector<16xf32>,
        %mul3A_222 = arith.mulf %gather3A_217, %gather3A_221 : vector<16xf32>
        %add3A_223 = arith.addf %add3A_202, %mul3A_222 : vector<16xf32>
        %gather3A_224 = tpu.vector_load_idx %arg13[%add3A_99, %add3A_122, %broadcast_in_dim3A_216] : memref<2x800x32xf32, #tpu.memory_space<vmem>>[vector<16xi32>, vector<16xi32>, vector<16xi32>], vector<16xf32>,
        %mul3A_225 = arith.mulf %gather3A_217, %gather3A_224 : vector<16xf32>
        %add3A_226 = arith.addf %add3A_205, %mul3A_225 : vector<16xf32>
        %gather3A_227 = tpu.vector_load_idx %arg13[%add3A_99, %add3A_128, %broadcast_in_dim3A_216] : memref<2x800x32xf32, #tpu.memory_space<vmem>>[vector<16xi32>, vector<16xi32>, vector<16xi32>], vector<16xf32>,
        %mul3A_228 = arith.mulf %gather3A_217, %gather3A_227 : vector<16xf32>
        %add3A_229 = arith.addf %add3A_208, %mul3A_228 : vector<16xf32>
        %gather3A_230 = tpu.vector_load_idx %arg13[%add3A_99, %add3A_134, %broadcast_in_dim3A_216] : memref<2x800x32xf32, #tpu.memory_space<vmem>>[vector<16xi32>, vector<16xi32>, vector<16xi32>], vector<16xf32>,
        %mul3A_231 = arith.mulf %gather3A_217, %gather3A_230 : vector<16xf32>
        %add3A_232 = arith.addf %add3A_211, %mul3A_231 : vector<16xf32>
        %gather3A_233 = tpu.vector_load_idx %arg13[%add3A_99, %add3A_140, %broadcast_in_dim3A_216] : memref<2x800x32xf32, #tpu.memory_space<vmem>>[vector<16xi32>, vector<16xi32>, vector<16xi32>], vector<16xf32>,
        %mul3A_234 = arith.mulf %gather3A_217, %gather3A_233 : vector<16xf32>
        %add3A_235 = arith.addf %add3A_214, %mul3A_234 : vector<16xf32>
        %broadcast_in_dim3A_236 = arith.constant 4 : i32
        %broadcast_in_dim3A_237 = vector.broadcast %broadcast_in_dim3A_236 : i32 to vector<16xi32>
        %gather3A_238 = tpu.vector_load_idx %arg11[%add3A_99, %add3A_110, %broadcast_in_dim3A_237] : memref<2x160x32xf32, #tpu.memory_space<vmem>>[vector<16xi32>, vector<16xi32>, vector<16xi32>], vector<16xf32>,
        %gather3A_239 = tpu.vector_load_idx %arg12[%add3A_99, %add3A_110, %broadcast_in_dim3A_237] : memref<2x160x32xf32, #tpu.memory_space<vmem>>[vector<16xi32>, vector<16xi32>, vector<16xi32>], vector<16xf32>,
        %mul3A_240 = arith.mulf %gather3A_238, %gather3A_239 : vector<16xf32>
        %add3A_241 = arith.addf %add3A_220, %mul3A_240 : vector<16xf32>
        %gather3A_242 = tpu.vector_load_idx %arg13[%add3A_99, %add3A_116, %broadcast_in_dim3A_237] : memref<2x800x32xf32, #tpu.memory_space<vmem>>[vector<16xi32>, vector<16xi32>, vector<16xi32>], vector<16xf32>,
        %mul3A_243 = arith.mulf %gather3A_238, %gather3A_242 : vector<16xf32>
        %add3A_244 = arith.addf %add3A_223, %mul3A_243 : vector<16xf32>
        %gather3A_245 = tpu.vector_load_idx %arg13[%add3A_99, %add3A_122, %broadcast_in_dim3A_237] : memref<2x800x32xf32, #tpu.memory_space<vmem>>[vector<16xi32>, vector<16xi32>, vector<16xi32>], vector<16xf32>,
        %mul3A_246 = arith.mulf %gather3A_238, %gather3A_245 : vector<16xf32>
        %add3A_247 = arith.addf %add3A_226, %mul3A_246 : vector<16xf32>
        %gather3A_248 = tpu.vector_load_idx %arg13[%add3A_99, %add3A_128, %broadcast_in_dim3A_237] : memref<2x800x32xf32, #tpu.memory_space<vmem>>[vector<16xi32>, vector<16xi32>, vector<16xi32>], vector<16xf32>,
        %mul3A_249 = arith.mulf %gather3A_238, %gather3A_248 : vector<16xf32>
        %add3A_250 = arith.addf %add3A_229, %mul3A_249 : vector<16xf32>
        %gather3A_251 = tpu.vector_load_idx %arg13[%add3A_99, %add3A_134, %broadcast_in_dim3A_237] : memref<2x800x32xf32, #tpu.memory_space<vmem>>[vector<16xi32>, vector<16xi32>, vector<16xi32>], vector<16xf32>,
        %mul3A_252 = arith.mulf %gather3A_238, %gather3A_251 : vector<16xf32>
        %add3A_253 = arith.addf %add3A_232, %mul3A_252 : vector<16xf32>
        %gather3A_254 = tpu.vector_load_idx %arg13[%add3A_99, %add3A_140, %broadcast_in_dim3A_237] : memref<2x800x32xf32, #tpu.memory_space<vmem>>[vector<16xi32>, vector<16xi32>, vector<16xi32>], vector<16xf32>,
        %mul3A_255 = arith.mulf %gather3A_238, %gather3A_254 : vector<16xf32>
        %add3A_256 = arith.addf %add3A_235, %mul3A_255 : vector<16xf32>
        %broadcast_in_dim3A_257 = arith.constant 5 : i32
        %broadcast_in_dim3A_258 = vector.broadcast %broadcast_in_dim3A_257 : i32 to vector<16xi32>
        %gather3A_259 = tpu.vector_load_idx %arg11[%add3A_99, %add3A_110, %broadcast_in_dim3A_258] : memref<2x160x32xf32, #tpu.memory_space<vmem>>[vector<16xi32>, vector<16xi32>, vector<16xi32>], vector<16xf32>,
        %gather3A_260 = tpu.vector_load_idx %arg12[%add3A_99, %add3A_110, %broadcast_in_dim3A_258] : memref<2x160x32xf32, #tpu.memory_space<vmem>>[vector<16xi32>, vector<16xi32>, vector<16xi32>], vector<16xf32>,
        %mul3A_261 = arith.mulf %gather3A_259, %gather3A_260 : vector<16xf32>
        %add3A_262 = arith.addf %add3A_241, %mul3A_261 : vector<16xf32>
        %gather3A_263 = tpu.vector_load_idx %arg13[%add3A_99, %add3A_116, %broadcast_in_dim3A_258] : memref<2x800x32xf32, #tpu.memory_space<vmem>>[vector<16xi32>, vector<16xi32>, vector<16xi32>], vector<16xf32>,
        %mul3A_264 = arith.mulf %gather3A_259, %gather3A_263 : vector<16xf32>
        %add3A_265 = arith.addf %add3A_244, %mul3A_264 : vector<16xf32>
        %gather3A_266 = tpu.vector_load_idx %arg13[%add3A_99, %add3A_122, %broadcast_in_dim3A_258] : memref<2x800x32xf32, #tpu.memory_space<vmem>>[vector<16xi32>, vector<16xi32>, vector<16xi32>], vector<16xf32>,
        %mul3A_267 = arith.mulf %gather3A_259, %gather3A_266 : vector<16xf32>
        %add3A_268 = arith.addf %add3A_247, %mul3A_267 : vector<16xf32>
        %gather3A_269 = tpu.vector_load_idx %arg13[%add3A_99, %add3A_128, %broadcast_in_dim3A_258] : memref<2x800x32xf32, #tpu.memory_space<vmem>>[vector<16xi32>, vector<16xi32>, vector<16xi32>], vector<16xf32>,
        %mul3A_270 = arith.mulf %gather3A_259, %gather3A_269 : vector<16xf32>
        %add3A_271 = arith.addf %add3A_250, %mul3A_270 : vector<16xf32>
        %gather3A_272 = tpu.vector_load_idx %arg13[%add3A_99, %add3A_134, %broadcast_in_dim3A_258] : memref<2x800x32xf32, #tpu.memory_space<vmem>>[vector<16xi32>, vector<16xi32>, vector<16xi32>], vector<16xf32>,
        %mul3A_273 = arith.mulf %gather3A_259, %gather3A_272 : vector<16xf32>
        %add3A_274 = arith.addf %add3A_253, %mul3A_273 : vector<16xf32>
        %gather3A_275 = tpu.vector_load_idx %arg13[%add3A_99, %add3A_140, %broadcast_in_dim3A_258] : memref<2x800x32xf32, #tpu.memory_space<vmem>>[vector<16xi32>, vector<16xi32>, vector<16xi32>], vector<16xf32>,
        %mul3A_276 = arith.mulf %gather3A_259, %gather3A_275 : vector<16xf32>
        %add3A_277 = arith.addf %add3A_256, %mul3A_276 : vector<16xf32>
        %broadcast_in_dim3A_278 = arith.constant 6 : i32
        %broadcast_in_dim3A_279 = vector.broadcast %broadcast_in_dim3A_278 : i32 to vector<16xi32>
        %gather3A_280 = tpu.vector_load_idx %arg11[%add3A_99, %add3A_110, %broadcast_in_dim3A_279] : memref<2x160x32xf32, #tpu.memory_space<vmem>>[vector<16xi32>, vector<16xi32>, vector<16xi32>], vector<16xf32>,
        %gather3A_281 = tpu.vector_load_idx %arg12[%add3A_99, %add3A_110, %broadcast_in_dim3A_279] : memref<2x160x32xf32, #tpu.memory_space<vmem>>[vector<16xi32>, vector<16xi32>, vector<16xi32>], vector<16xf32>,
        %mul3A_282 = arith.mulf %gather3A_280, %gather3A_281 : vector<16xf32>
        %add3A_283 = arith.addf %add3A_262, %mul3A_282 : vector<16xf32>
        %gather3A_284 = tpu.vector_load_idx %arg13[%add3A_99, %add3A_116, %broadcast_in_dim3A_279] : memref<2x800x32xf32, #tpu.memory_space<vmem>>[vector<16xi32>, vector<16xi32>, vector<16xi32>], vector<16xf32>,
        %mul3A_285 = arith.mulf %gather3A_280, %gather3A_284 : vector<16xf32>
        %add3A_286 = arith.addf %add3A_265, %mul3A_285 : vector<16xf32>
        %gather3A_287 = tpu.vector_load_idx %arg13[%add3A_99, %add3A_122, %broadcast_in_dim3A_279] : memref<2x800x32xf32, #tpu.memory_space<vmem>>[vector<16xi32>, vector<16xi32>, vector<16xi32>], vector<16xf32>,
        %mul3A_288 = arith.mulf %gather3A_280, %gather3A_287 : vector<16xf32>
        %add3A_289 = arith.addf %add3A_268, %mul3A_288 : vector<16xf32>
        %gather3A_290 = tpu.vector_load_idx %arg13[%add3A_99, %add3A_128, %broadcast_in_dim3A_279] : memref<2x800x32xf32, #tpu.memory_space<vmem>>[vector<16xi32>, vector<16xi32>, vector<16xi32>], vector<16xf32>,
        %mul3A_291 = arith.mulf %gather3A_280, %gather3A_290 : vector<16xf32>
        %add3A_292 = arith.addf %add3A_271, %mul3A_291 : vector<16xf32>
        %gather3A_293 = tpu.vector_load_idx %arg13[%add3A_99, %add3A_134, %broadcast_in_dim3A_279] : memref<2x800x32xf32, #tpu.memory_space<vmem>>[vector<16xi32>, vector<16xi32>, vector<16xi32>], vector<16xf32>,
        %mul3A_294 = arith.mulf %gather3A_280, %gather3A_293 : vector<16xf32>
        %add3A_295 = arith.addf %add3A_274, %mul3A_294 : vector<16xf32>
        %gather3A_296 = tpu.vector_load_idx %arg13[%add3A_99, %add3A_140, %broadcast_in_dim3A_279] : memref<2x800x32xf32, #tpu.memory_space<vmem>>[vector<16xi32>, vector<16xi32>, vector<16xi32>], vector<16xf32>,
        %mul3A_297 = arith.mulf %gather3A_280, %gather3A_296 : vector<16xf32>
        %add3A_298 = arith.addf %add3A_277, %mul3A_297 : vector<16xf32>
        %broadcast_in_dim3A_299 = arith.constant 7 : i32
        %broadcast_in_dim3A_300 = vector.broadcast %broadcast_in_dim3A_299 : i32 to vector<16xi32>
        %gather3A_301 = tpu.vector_load_idx %arg11[%add3A_99, %add3A_110, %broadcast_in_dim3A_300] : memref<2x160x32xf32, #tpu.memory_space<vmem>>[vector<16xi32>, vector<16xi32>, vector<16xi32>], vector<16xf32>,
        %gather3A_302 = tpu.vector_load_idx %arg12[%add3A_99, %add3A_110, %broadcast_in_dim3A_300] : memref<2x160x32xf32, #tpu.memory_space<vmem>>[vector<16xi32>, vector<16xi32>, vector<16xi32>], vector<16xf32>,
        %mul3A_303 = arith.mulf %gather3A_301, %gather3A_302 : vector<16xf32>
        %add3A_304 = arith.addf %add3A_283, %mul3A_303 : vector<16xf32>
        %gather3A_305 = tpu.vector_load_idx %arg13[%add3A_99, %add3A_116, %broadcast_in_dim3A_300] : memref<2x800x32xf32, #tpu.memory_space<vmem>>[vector<16xi32>, vector<16xi32>, vector<16xi32>], vector<16xf32>,
        %mul3A_306 = arith.mulf %gather3A_301, %gather3A_305 : vector<16xf32>
        %add3A_307 = arith.addf %add3A_286, %mul3A_306 : vector<16xf32>
        %gather3A_308 = tpu.vector_load_idx %arg13[%add3A_99, %add3A_122, %broadcast_in_dim3A_300] : memref<2x800x32xf32, #tpu.memory_space<vmem>>[vector<16xi32>, vector<16xi32>, vector<16xi32>], vector<16xf32>,
        %mul3A_309 = arith.mulf %gather3A_301, %gather3A_308 : vector<16xf32>
        %add3A_310 = arith.addf %add3A_289, %mul3A_309 : vector<16xf32>
        %gather3A_311 = tpu.vector_load_idx %arg13[%add3A_99, %add3A_128, %broadcast_in_dim3A_300] : memref<2x800x32xf32, #tpu.memory_space<vmem>>[vector<16xi32>, vector<16xi32>, vector<16xi32>], vector<16xf32>,
        %mul3A_312 = arith.mulf %gather3A_301, %gather3A_311 : vector<16xf32>
        %add3A_313 = arith.addf %add3A_292, %mul3A_312 : vector<16xf32>
        %gather3A_314 = tpu.vector_load_idx %arg13[%add3A_99, %add3A_134, %broadcast_in_dim3A_300] : memref<2x800x32xf32, #tpu.memory_space<vmem>>[vector<16xi32>, vector<16xi32>, vector<16xi32>], vector<16xf32>,
        %mul3A_315 = arith.mulf %gather3A_301, %gather3A_314 : vector<16xf32>
        %add3A_316 = arith.addf %add3A_295, %mul3A_315 : vector<16xf32>
        %gather3A_317 = tpu.vector_load_idx %arg13[%add3A_99, %add3A_140, %broadcast_in_dim3A_300] : memref<2x800x32xf32, #tpu.memory_space<vmem>>[vector<16xi32>, vector<16xi32>, vector<16xi32>], vector<16xf32>,
        %mul3A_318 = arith.mulf %gather3A_301, %gather3A_317 : vector<16xf32>
        %add3A_319 = arith.addf %add3A_298, %mul3A_318 : vector<16xf32>
        %broadcast_in_dim3A_320 = arith.constant 8 : i32
        %broadcast_in_dim3A_321 = vector.broadcast %broadcast_in_dim3A_320 : i32 to vector<16xi32>
        %gather3A_322 = tpu.vector_load_idx %arg11[%add3A_99, %add3A_110, %broadcast_in_dim3A_321] : memref<2x160x32xf32, #tpu.memory_space<vmem>>[vector<16xi32>, vector<16xi32>, vector<16xi32>], vector<16xf32>,
        %gather3A_323 = tpu.vector_load_idx %arg12[%add3A_99, %add3A_110, %broadcast_in_dim3A_321] : memref<2x160x32xf32, #tpu.memory_space<vmem>>[vector<16xi32>, vector<16xi32>, vector<16xi32>], vector<16xf32>,
        %mul3A_324 = arith.mulf %gather3A_322, %gather3A_323 : vector<16xf32>
        %add3A_325 = arith.addf %add3A_304, %mul3A_324 : vector<16xf32>
        %gather3A_326 = tpu.vector_load_idx %arg13[%add3A_99, %add3A_116, %broadcast_in_dim3A_321] : memref<2x800x32xf32, #tpu.memory_space<vmem>>[vector<16xi32>, vector<16xi32>, vector<16xi32>], vector<16xf32>,
        %mul3A_327 = arith.mulf %gather3A_322, %gather3A_326 : vector<16xf32>
        %add3A_328 = arith.addf %add3A_307, %mul3A_327 : vector<16xf32>
        %gather3A_329 = tpu.vector_load_idx %arg13[%add3A_99, %add3A_122, %broadcast_in_dim3A_321] : memref<2x800x32xf32, #tpu.memory_space<vmem>>[vector<16xi32>, vector<16xi32>, vector<16xi32>], vector<16xf32>,
        %mul3A_330 = arith.mulf %gather3A_322, %gather3A_329 : vector<16xf32>
        %add3A_331 = arith.addf %add3A_310, %mul3A_330 : vector<16xf32>
        %gather3A_332 = tpu.vector_load_idx %arg13[%add3A_99, %add3A_128, %broadcast_in_dim3A_321] : memref<2x800x32xf32, #tpu.memory_space<vmem>>[vector<16xi32>, vector<16xi32>, vector<16xi32>], vector<16xf32>,
        %mul3A_333 = arith.mulf %gather3A_322, %gather3A_332 : vector<16xf32>
        %add3A_334 = arith.addf %add3A_313, %mul3A_333 : vector<16xf32>
        %gather3A_335 = tpu.vector_load_idx %arg13[%add3A_99, %add3A_134, %broadcast_in_dim3A_321] : memref<2x800x32xf32, #tpu.memory_space<vmem>>[vector<16xi32>, vector<16xi32>, vector<16xi32>], vector<16xf32>,
        %mul3A_336 = arith.mulf %gather3A_322, %gather3A_335 : vector<16xf32>
        %add3A_337 = arith.addf %add3A_316, %mul3A_336 : vector<16xf32>
        %gather3A_338 = tpu.vector_load_idx %arg13[%add3A_99, %add3A_140, %broadcast_in_dim3A_321] : memref<2x800x32xf32, #tpu.memory_space<vmem>>[vector<16xi32>, vector<16xi32>, vector<16xi32>], vector<16xf32>,
        %mul3A_339 = arith.mulf %gather3A_322, %gather3A_338 : vector<16xf32>
        %add3A_340 = arith.addf %add3A_319, %mul3A_339 : vector<16xf32>
        %broadcast_in_dim3A_341 = arith.constant 9 : i32
        %broadcast_in_dim3A_342 = vector.broadcast %broadcast_in_dim3A_341 : i32 to vector<16xi32>
        %gather3A_343 = tpu.vector_load_idx %arg11[%add3A_99, %add3A_110, %broadcast_in_dim3A_342] : memref<2x160x32xf32, #tpu.memory_space<vmem>>[vector<16xi32>, vector<16xi32>, vector<16xi32>], vector<16xf32>,
        %gather3A_344 = tpu.vector_load_idx %arg12[%add3A_99, %add3A_110, %broadcast_in_dim3A_342] : memref<2x160x32xf32, #tpu.memory_space<vmem>>[vector<16xi32>, vector<16xi32>, vector<16xi32>], vector<16xf32>,
        %mul3A_345 = arith.mulf %gather3A_343, %gather3A_344 : vector<16xf32>
        %add3A_346 = arith.addf %add3A_325, %mul3A_345 : vector<16xf32>
        %gather3A_347 = tpu.vector_load_idx %arg13[%add3A_99, %add3A_116, %broadcast_in_dim3A_342] : memref<2x800x32xf32, #tpu.memory_space<vmem>>[vector<16xi32>, vector<16xi32>, vector<16xi32>], vector<16xf32>,
        %mul3A_348 = arith.mulf %gather3A_343, %gather3A_347 : vector<16xf32>
        %add3A_349 = arith.addf %add3A_328, %mul3A_348 : vector<16xf32>
        %gather3A_350 = tpu.vector_load_idx %arg13[%add3A_99, %add3A_122, %broadcast_in_dim3A_342] : memref<2x800x32xf32, #tpu.memory_space<vmem>>[vector<16xi32>, vector<16xi32>, vector<16xi32>], vector<16xf32>,
        %mul3A_351 = arith.mulf %gather3A_343, %gather3A_350 : vector<16xf32>
        %add3A_352 = arith.addf %add3A_331, %mul3A_351 : vector<16xf32>
        %gather3A_353 = tpu.vector_load_idx %arg13[%add3A_99, %add3A_128, %broadcast_in_dim3A_342] : memref<2x800x32xf32, #tpu.memory_space<vmem>>[vector<16xi32>, vector<16xi32>, vector<16xi32>], vector<16xf32>,
        %mul3A_354 = arith.mulf %gather3A_343, %gather3A_353 : vector<16xf32>
        %add3A_355 = arith.addf %add3A_334, %mul3A_354 : vector<16xf32>
        %gather3A_356 = tpu.vector_load_idx %arg13[%add3A_99, %add3A_134, %broadcast_in_dim3A_342] : memref<2x800x32xf32, #tpu.memory_space<vmem>>[vector<16xi32>, vector<16xi32>, vector<16xi32>], vector<16xf32>,
        %mul3A_357 = arith.mulf %gather3A_343, %gather3A_356 : vector<16xf32>
        %add3A_358 = arith.addf %add3A_337, %mul3A_357 : vector<16xf32>
        %gather3A_359 = tpu.vector_load_idx %arg13[%add3A_99, %add3A_140, %broadcast_in_dim3A_342] : memref<2x800x32xf32, #tpu.memory_space<vmem>>[vector<16xi32>, vector<16xi32>, vector<16xi32>], vector<16xf32>,
        %mul3A_360 = arith.mulf %gather3A_343, %gather3A_359 : vector<16xf32>
        %add3A_361 = arith.addf %add3A_340, %mul3A_360 : vector<16xf32>
        %broadcast_in_dim3A_362 = arith.constant 10 : i32
        %broadcast_in_dim3A_363 = vector.broadcast %broadcast_in_dim3A_362 : i32 to vector<16xi32>
        %gather3A_364 = tpu.vector_load_idx %arg11[%add3A_99, %add3A_110, %broadcast_in_dim3A_363] : memref<2x160x32xf32, #tpu.memory_space<vmem>>[vector<16xi32>, vector<16xi32>, vector<16xi32>], vector<16xf32>,
        %gather3A_365 = tpu.vector_load_idx %arg12[%add3A_99, %add3A_110, %broadcast_in_dim3A_363] : memref<2x160x32xf32, #tpu.memory_space<vmem>>[vector<16xi32>, vector<16xi32>, vector<16xi32>], vector<16xf32>,
        %mul3A_366 = arith.mulf %gather3A_364, %gather3A_365 : vector<16xf32>
        %add3A_367 = arith.addf %add3A_346, %mul3A_366 : vector<16xf32>
        %gather3A_368 = tpu.vector_load_idx %arg13[%add3A_99, %add3A_116, %broadcast_in_dim3A_363] : memref<2x800x32xf32, #tpu.memory_space<vmem>>[vector<16xi32>, vector<16xi32>, vector<16xi32>], vector<16xf32>,
        %mul3A_369 = arith.mulf %gather3A_364, %gather3A_368 : vector<16xf32>
        %add3A_370 = arith.addf %add3A_349, %mul3A_369 : vector<16xf32>
        %gather3A_371 = tpu.vector_load_idx %arg13[%add3A_99, %add3A_122, %broadcast_in_dim3A_363] : memref<2x800x32xf32, #tpu.memory_space<vmem>>[vector<16xi32>, vector<16xi32>, vector<16xi32>], vector<16xf32>,
        %mul3A_372 = arith.mulf %gather3A_364, %gather3A_371 : vector<16xf32>
        %add3A_373 = arith.addf %add3A_352, %mul3A_372 : vector<16xf32>
        %gather3A_374 = tpu.vector_load_idx %arg13[%add3A_99, %add3A_128, %broadcast_in_dim3A_363] : memref<2x800x32xf32, #tpu.memory_space<vmem>>[vector<16xi32>, vector<16xi32>, vector<16xi32>], vector<16xf32>,
        %mul3A_375 = arith.mulf %gather3A_364, %gather3A_374 : vector<16xf32>
        %add3A_376 = arith.addf %add3A_355, %mul3A_375 : vector<16xf32>
        %gather3A_377 = tpu.vector_load_idx %arg13[%add3A_99, %add3A_134, %broadcast_in_dim3A_363] : memref<2x800x32xf32, #tpu.memory_space<vmem>>[vector<16xi32>, vector<16xi32>, vector<16xi32>], vector<16xf32>,
        %mul3A_378 = arith.mulf %gather3A_364, %gather3A_377 : vector<16xf32>
        %add3A_379 = arith.addf %add3A_358, %mul3A_378 : vector<16xf32>
        %gather3A_380 = tpu.vector_load_idx %arg13[%add3A_99, %add3A_140, %broadcast_in_dim3A_363] : memref<2x800x32xf32, #tpu.memory_space<vmem>>[vector<16xi32>, vector<16xi32>, vector<16xi32>], vector<16xf32>,
        %mul3A_381 = arith.mulf %gather3A_364, %gather3A_380 : vector<16xf32>
        %add3A_382 = arith.addf %add3A_361, %mul3A_381 : vector<16xf32>
        %broadcast_in_dim3A_383 = arith.constant 11 : i32
        %broadcast_in_dim3A_384 = vector.broadcast %broadcast_in_dim3A_383 : i32 to vector<16xi32>
        %gather3A_385 = tpu.vector_load_idx %arg11[%add3A_99, %add3A_110, %broadcast_in_dim3A_384] : memref<2x160x32xf32, #tpu.memory_space<vmem>>[vector<16xi32>, vector<16xi32>, vector<16xi32>], vector<16xf32>,
        %gather3A_386 = tpu.vector_load_idx %arg12[%add3A_99, %add3A_110, %broadcast_in_dim3A_384] : memref<2x160x32xf32, #tpu.memory_space<vmem>>[vector<16xi32>, vector<16xi32>, vector<16xi32>], vector<16xf32>,
        %mul3A_387 = arith.mulf %gather3A_385, %gather3A_386 : vector<16xf32>
        %add3A_388 = arith.addf %add3A_367, %mul3A_387 : vector<16xf32>
        %gather3A_389 = tpu.vector_load_idx %arg13[%add3A_99, %add3A_116, %broadcast_in_dim3A_384] : memref<2x800x32xf32, #tpu.memory_space<vmem>>[vector<16xi32>, vector<16xi32>, vector<16xi32>], vector<16xf32>,
        %mul3A_390 = arith.mulf %gather3A_385, %gather3A_389 : vector<16xf32>
        %add3A_391 = arith.addf %add3A_370, %mul3A_390 : vector<16xf32>
        %gather3A_392 = tpu.vector_load_idx %arg13[%add3A_99, %add3A_122, %broadcast_in_dim3A_384] : memref<2x800x32xf32, #tpu.memory_space<vmem>>[vector<16xi32>, vector<16xi32>, vector<16xi32>], vector<16xf32>,
        %mul3A_393 = arith.mulf %gather3A_385, %gather3A_392 : vector<16xf32>
        %add3A_394 = arith.addf %add3A_373, %mul3A_393 : vector<16xf32>
        %gather3A_395 = tpu.vector_load_idx %arg13[%add3A_99, %add3A_128, %broadcast_in_dim3A_384] : memref<2x800x32xf32, #tpu.memory_space<vmem>>[vector<16xi32>, vector<16xi32>, vector<16xi32>], vector<16xf32>,
        %mul3A_396 = arith.mulf %gather3A_385, %gather3A_395 : vector<16xf32>
        %add3A_397 = arith.addf %add3A_376, %mul3A_396 : vector<16xf32>
        %gather3A_398 = tpu.vector_load_idx %arg13[%add3A_99, %add3A_134, %broadcast_in_dim3A_384] : memref<2x800x32xf32, #tpu.memory_space<vmem>>[vector<16xi32>, vector<16xi32>, vector<16xi32>], vector<16xf32>,
        %mul3A_399 = arith.mulf %gather3A_385, %gather3A_398 : vector<16xf32>
        %add3A_400 = arith.addf %add3A_379, %mul3A_399 : vector<16xf32>
        %gather3A_401 = tpu.vector_load_idx %arg13[%add3A_99, %add3A_140, %broadcast_in_dim3A_384] : memref<2x800x32xf32, #tpu.memory_space<vmem>>[vector<16xi32>, vector<16xi32>, vector<16xi32>], vector<16xf32>,
        %mul3A_402 = arith.mulf %gather3A_385, %gather3A_401 : vector<16xf32>
        %add3A_403 = arith.addf %add3A_382, %mul3A_402 : vector<16xf32>
        %broadcast_in_dim3A_404 = arith.constant 12 : i32
        %broadcast_in_dim3A_405 = vector.broadcast %broadcast_in_dim3A_404 : i32 to vector<16xi32>
        %gather3A_406 = tpu.vector_load_idx %arg11[%add3A_99, %add3A_110, %broadcast_in_dim3A_405] : memref<2x160x32xf32, #tpu.memory_space<vmem>>[vector<16xi32>, vector<16xi32>, vector<16xi32>], vector<16xf32>,
        %gather3A_407 = tpu.vector_load_idx %arg12[%add3A_99, %add3A_110, %broadcast_in_dim3A_405] : memref<2x160x32xf32, #tpu.memory_space<vmem>>[vector<16xi32>, vector<16xi32>, vector<16xi32>], vector<16xf32>,
        %mul3A_408 = arith.mulf %gather3A_406, %gather3A_407 : vector<16xf32>
        %add3A_409 = arith.addf %add3A_388, %mul3A_408 : vector<16xf32>
        %gather3A_410 = tpu.vector_load_idx %arg13[%add3A_99, %add3A_116, %broadcast_in_dim3A_405] : memref<2x800x32xf32, #tpu.memory_space<vmem>>[vector<16xi32>, vector<16xi32>, vector<16xi32>], vector<16xf32>,
        %mul3A_411 = arith.mulf %gather3A_406, %gather3A_410 : vector<16xf32>
        %add3A_412 = arith.addf %add3A_391, %mul3A_411 : vector<16xf32>
        %gather3A_413 = tpu.vector_load_idx %arg13[%add3A_99, %add3A_122, %broadcast_in_dim3A_405] : memref<2x800x32xf32, #tpu.memory_space<vmem>>[vector<16xi32>, vector<16xi32>, vector<16xi32>], vector<16xf32>,
        %mul3A_414 = arith.mulf %gather3A_406, %gather3A_413 : vector<16xf32>
        %add3A_415 = arith.addf %add3A_394, %mul3A_414 : vector<16xf32>
        %gather3A_416 = tpu.vector_load_idx %arg13[%add3A_99, %add3A_128, %broadcast_in_dim3A_405] : memref<2x800x32xf32, #tpu.memory_space<vmem>>[vector<16xi32>, vector<16xi32>, vector<16xi32>], vector<16xf32>,
        %mul3A_417 = arith.mulf %gather3A_406, %gather3A_416 : vector<16xf32>
        %add3A_418 = arith.addf %add3A_397, %mul3A_417 : vector<16xf32>
        %gather3A_419 = tpu.vector_load_idx %arg13[%add3A_99, %add3A_134, %broadcast_in_dim3A_405] : memref<2x800x32xf32, #tpu.memory_space<vmem>>[vector<16xi32>, vector<16xi32>, vector<16xi32>], vector<16xf32>,
        %mul3A_420 = arith.mulf %gather3A_406, %gather3A_419 : vector<16xf32>
        %add3A_421 = arith.addf %add3A_400, %mul3A_420 : vector<16xf32>
        %gather3A_422 = tpu.vector_load_idx %arg13[%add3A_99, %add3A_140, %broadcast_in_dim3A_405] : memref<2x800x32xf32, #tpu.memory_space<vmem>>[vector<16xi32>, vector<16xi32>, vector<16xi32>], vector<16xf32>,
        %mul3A_423 = arith.mulf %gather3A_406, %gather3A_422 : vector<16xf32>
        %add3A_424 = arith.addf %add3A_403, %mul3A_423 : vector<16xf32>
        %broadcast_in_dim3A_425 = arith.constant 13 : i32
        %broadcast_in_dim3A_426 = vector.broadcast %broadcast_in_dim3A_425 : i32 to vector<16xi32>
        %gather3A_427 = tpu.vector_load_idx %arg11[%add3A_99, %add3A_110, %broadcast_in_dim3A_426] : memref<2x160x32xf32, #tpu.memory_space<vmem>>[vector<16xi32>, vector<16xi32>, vector<16xi32>], vector<16xf32>,
        %gather3A_428 = tpu.vector_load_idx %arg12[%add3A_99, %add3A_110, %broadcast_in_dim3A_426] : memref<2x160x32xf32, #tpu.memory_space<vmem>>[vector<16xi32>, vector<16xi32>, vector<16xi32>], vector<16xf32>,
        %mul3A_429 = arith.mulf %gather3A_427, %gather3A_428 : vector<16xf32>
        %add3A_430 = arith.addf %add3A_409, %mul3A_429 : vector<16xf32>
        %gather3A_431 = tpu.vector_load_idx %arg13[%add3A_99, %add3A_116, %broadcast_in_dim3A_426] : memref<2x800x32xf32, #tpu.memory_space<vmem>>[vector<16xi32>, vector<16xi32>, vector<16xi32>], vector<16xf32>,
        %mul3A_432 = arith.mulf %gather3A_427, %gather3A_431 : vector<16xf32>
        %add3A_433 = arith.addf %add3A_412, %mul3A_432 : vector<16xf32>
        %gather3A_434 = tpu.vector_load_idx %arg13[%add3A_99, %add3A_122, %broadcast_in_dim3A_426] : memref<2x800x32xf32, #tpu.memory_space<vmem>>[vector<16xi32>, vector<16xi32>, vector<16xi32>], vector<16xf32>,
        %mul3A_435 = arith.mulf %gather3A_427, %gather3A_434 : vector<16xf32>
        %add3A_436 = arith.addf %add3A_415, %mul3A_435 : vector<16xf32>
        %gather3A_437 = tpu.vector_load_idx %arg13[%add3A_99, %add3A_128, %broadcast_in_dim3A_426] : memref<2x800x32xf32, #tpu.memory_space<vmem>>[vector<16xi32>, vector<16xi32>, vector<16xi32>], vector<16xf32>,
        %mul3A_438 = arith.mulf %gather3A_427, %gather3A_437 : vector<16xf32>
        %add3A_439 = arith.addf %add3A_418, %mul3A_438 : vector<16xf32>
        %gather3A_440 = tpu.vector_load_idx %arg13[%add3A_99, %add3A_134, %broadcast_in_dim3A_426] : memref<2x800x32xf32, #tpu.memory_space<vmem>>[vector<16xi32>, vector<16xi32>, vector<16xi32>], vector<16xf32>,
        %mul3A_441 = arith.mulf %gather3A_427, %gather3A_440 : vector<16xf32>
        %add3A_442 = arith.addf %add3A_421, %mul3A_441 : vector<16xf32>
        %gather3A_443 = tpu.vector_load_idx %arg13[%add3A_99, %add3A_140, %broadcast_in_dim3A_426] : memref<2x800x32xf32, #tpu.memory_space<vmem>>[vector<16xi32>, vector<16xi32>, vector<16xi32>], vector<16xf32>,
        %mul3A_444 = arith.mulf %gather3A_427, %gather3A_443 : vector<16xf32>
        %add3A_445 = arith.addf %add3A_424, %mul3A_444 : vector<16xf32>
        %broadcast_in_dim3A_446 = arith.constant 14 : i32
        %broadcast_in_dim3A_447 = vector.broadcast %broadcast_in_dim3A_446 : i32 to vector<16xi32>
        %gather3A_448 = tpu.vector_load_idx %arg11[%add3A_99, %add3A_110, %broadcast_in_dim3A_447] : memref<2x160x32xf32, #tpu.memory_space<vmem>>[vector<16xi32>, vector<16xi32>, vector<16xi32>], vector<16xf32>,
        %gather3A_449 = tpu.vector_load_idx %arg12[%add3A_99, %add3A_110, %broadcast_in_dim3A_447] : memref<2x160x32xf32, #tpu.memory_space<vmem>>[vector<16xi32>, vector<16xi32>, vector<16xi32>], vector<16xf32>,
        %mul3A_450 = arith.mulf %gather3A_448, %gather3A_449 : vector<16xf32>
        %add3A_451 = arith.addf %add3A_430, %mul3A_450 : vector<16xf32>
        %gather3A_452 = tpu.vector_load_idx %arg13[%add3A_99, %add3A_116, %broadcast_in_dim3A_447] : memref<2x800x32xf32, #tpu.memory_space<vmem>>[vector<16xi32>, vector<16xi32>, vector<16xi32>], vector<16xf32>,
        %mul3A_453 = arith.mulf %gather3A_448, %gather3A_452 : vector<16xf32>
        %add3A_454 = arith.addf %add3A_433, %mul3A_453 : vector<16xf32>
        %gather3A_455 = tpu.vector_load_idx %arg13[%add3A_99, %add3A_122, %broadcast_in_dim3A_447] : memref<2x800x32xf32, #tpu.memory_space<vmem>>[vector<16xi32>, vector<16xi32>, vector<16xi32>], vector<16xf32>,
        %mul3A_456 = arith.mulf %gather3A_448, %gather3A_455 : vector<16xf32>
        %add3A_457 = arith.addf %add3A_436, %mul3A_456 : vector<16xf32>
        %gather3A_458 = tpu.vector_load_idx %arg13[%add3A_99, %add3A_128, %broadcast_in_dim3A_447] : memref<2x800x32xf32, #tpu.memory_space<vmem>>[vector<16xi32>, vector<16xi32>, vector<16xi32>], vector<16xf32>,
        %mul3A_459 = arith.mulf %gather3A_448, %gather3A_458 : vector<16xf32>
        %add3A_460 = arith.addf %add3A_439, %mul3A_459 : vector<16xf32>
        %gather3A_461 = tpu.vector_load_idx %arg13[%add3A_99, %add3A_134, %broadcast_in_dim3A_447] : memref<2x800x32xf32, #tpu.memory_space<vmem>>[vector<16xi32>, vector<16xi32>, vector<16xi32>], vector<16xf32>,
        %mul3A_462 = arith.mulf %gather3A_448, %gather3A_461 : vector<16xf32>
        %add3A_463 = arith.addf %add3A_442, %mul3A_462 : vector<16xf32>
        %gather3A_464 = tpu.vector_load_idx %arg13[%add3A_99, %add3A_140, %broadcast_in_dim3A_447] : memref<2x800x32xf32, #tpu.memory_space<vmem>>[vector<16xi32>, vector<16xi32>, vector<16xi32>], vector<16xf32>,
        %mul3A_465 = arith.mulf %gather3A_448, %gather3A_464 : vector<16xf32>
        %add3A_466 = arith.addf %add3A_445, %mul3A_465 : vector<16xf32>
        %broadcast_in_dim3A_467 = arith.constant 15 : i32
        %broadcast_in_dim3A_468 = vector.broadcast %broadcast_in_dim3A_467 : i32 to vector<16xi32>
        %gather3A_469 = tpu.vector_load_idx %arg11[%add3A_99, %add3A_110, %broadcast_in_dim3A_468] : memref<2x160x32xf32, #tpu.memory_space<vmem>>[vector<16xi32>, vector<16xi32>, vector<16xi32>], vector<16xf32>,
        %gather3A_470 = tpu.vector_load_idx %arg12[%add3A_99, %add3A_110, %broadcast_in_dim3A_468] : memref<2x160x32xf32, #tpu.memory_space<vmem>>[vector<16xi32>, vector<16xi32>, vector<16xi32>], vector<16xf32>,
        %mul3A_471 = arith.mulf %gather3A_469, %gather3A_470 : vector<16xf32>
        %add3A_472 = arith.addf %add3A_451, %mul3A_471 : vector<16xf32>
        %gather3A_473 = tpu.vector_load_idx %arg13[%add3A_99, %add3A_116, %broadcast_in_dim3A_468] : memref<2x800x32xf32, #tpu.memory_space<vmem>>[vector<16xi32>, vector<16xi32>, vector<16xi32>], vector<16xf32>,
        %mul3A_474 = arith.mulf %gather3A_469, %gather3A_473 : vector<16xf32>
        %add3A_475 = arith.addf %add3A_454, %mul3A_474 : vector<16xf32>
        %gather3A_476 = tpu.vector_load_idx %arg13[%add3A_99, %add3A_122, %broadcast_in_dim3A_468] : memref<2x800x32xf32, #tpu.memory_space<vmem>>[vector<16xi32>, vector<16xi32>, vector<16xi32>], vector<16xf32>,
        %mul3A_477 = arith.mulf %gather3A_469, %gather3A_476 : vector<16xf32>
        %add3A_478 = arith.addf %add3A_457, %mul3A_477 : vector<16xf32>
        %gather3A_479 = tpu.vector_load_idx %arg13[%add3A_99, %add3A_128, %broadcast_in_dim3A_468] : memref<2x800x32xf32, #tpu.memory_space<vmem>>[vector<16xi32>, vector<16xi32>, vector<16xi32>], vector<16xf32>,
        %mul3A_480 = arith.mulf %gather3A_469, %gather3A_479 : vector<16xf32>
        %add3A_481 = arith.addf %add3A_460, %mul3A_480 : vector<16xf32>
        %gather3A_482 = tpu.vector_load_idx %arg13[%add3A_99, %add3A_134, %broadcast_in_dim3A_468] : memref<2x800x32xf32, #tpu.memory_space<vmem>>[vector<16xi32>, vector<16xi32>, vector<16xi32>], vector<16xf32>,
        %mul3A_483 = arith.mulf %gather3A_469, %gather3A_482 : vector<16xf32>
        %add3A_484 = arith.addf %add3A_463, %mul3A_483 : vector<16xf32>
        %gather3A_485 = tpu.vector_load_idx %arg13[%add3A_99, %add3A_140, %broadcast_in_dim3A_468] : memref<2x800x32xf32, #tpu.memory_space<vmem>>[vector<16xi32>, vector<16xi32>, vector<16xi32>], vector<16xf32>,
        %mul3A_486 = arith.mulf %gather3A_469, %gather3A_485 : vector<16xf32>
        %add3A_487 = arith.addf %add3A_466, %mul3A_486 : vector<16xf32>
        %broadcast_in_dim3A_488 = arith.constant 16 : i32
        %broadcast_in_dim3A_489 = vector.broadcast %broadcast_in_dim3A_488 : i32 to vector<16xi32>
        %gather3A_490 = tpu.vector_load_idx %arg11[%add3A_99, %add3A_110, %broadcast_in_dim3A_489] : memref<2x160x32xf32, #tpu.memory_space<vmem>>[vector<16xi32>, vector<16xi32>, vector<16xi32>], vector<16xf32>,
        %gather3A_491 = tpu.vector_load_idx %arg12[%add3A_99, %add3A_110, %broadcast_in_dim3A_489] : memref<2x160x32xf32, #tpu.memory_space<vmem>>[vector<16xi32>, vector<16xi32>, vector<16xi32>], vector<16xf32>,
        %mul3A_492 = arith.mulf %gather3A_490, %gather3A_491 : vector<16xf32>
        %add3A_493 = arith.addf %add3A_472, %mul3A_492 : vector<16xf32>
        %gather3A_494 = tpu.vector_load_idx %arg13[%add3A_99, %add3A_116, %broadcast_in_dim3A_489] : memref<2x800x32xf32, #tpu.memory_space<vmem>>[vector<16xi32>, vector<16xi32>, vector<16xi32>], vector<16xf32>,
        %mul3A_495 = arith.mulf %gather3A_490, %gather3A_494 : vector<16xf32>
        %add3A_496 = arith.addf %add3A_475, %mul3A_495 : vector<16xf32>
        %gather3A_497 = tpu.vector_load_idx %arg13[%add3A_99, %add3A_122, %broadcast_in_dim3A_489] : memref<2x800x32xf32, #tpu.memory_space<vmem>>[vector<16xi32>, vector<16xi32>, vector<16xi32>], vector<16xf32>,
        %mul3A_498 = arith.mulf %gather3A_490, %gather3A_497 : vector<16xf32>
        %add3A_499 = arith.addf %add3A_478, %mul3A_498 : vector<16xf32>
        %gather3A_500 = tpu.vector_load_idx %arg13[%add3A_99, %add3A_128, %broadcast_in_dim3A_489] : memref<2x800x32xf32, #tpu.memory_space<vmem>>[vector<16xi32>, vector<16xi32>, vector<16xi32>], vector<16xf32>,
        %mul3A_501 = arith.mulf %gather3A_490, %gather3A_500 : vector<16xf32>
        %add3A_502 = arith.addf %add3A_481, %mul3A_501 : vector<16xf32>
        %gather3A_503 = tpu.vector_load_idx %arg13[%add3A_99, %add3A_134, %broadcast_in_dim3A_489] : memref<2x800x32xf32, #tpu.memory_space<vmem>>[vector<16xi32>, vector<16xi32>, vector<16xi32>], vector<16xf32>,
        %mul3A_504 = arith.mulf %gather3A_490, %gather3A_503 : vector<16xf32>
        %add3A_505 = arith.addf %add3A_484, %mul3A_504 : vector<16xf32>
        %gather3A_506 = tpu.vector_load_idx %arg13[%add3A_99, %add3A_140, %broadcast_in_dim3A_489] : memref<2x800x32xf32, #tpu.memory_space<vmem>>[vector<16xi32>, vector<16xi32>, vector<16xi32>], vector<16xf32>,
        %mul3A_507 = arith.mulf %gather3A_490, %gather3A_506 : vector<16xf32>
        %add3A_508 = arith.addf %add3A_487, %mul3A_507 : vector<16xf32>
        %broadcast_in_dim3A_509 = arith.constant 17 : i32
        %broadcast_in_dim3A_510 = vector.broadcast %broadcast_in_dim3A_509 : i32 to vector<16xi32>
        %gather3A_511 = tpu.vector_load_idx %arg11[%add3A_99, %add3A_110, %broadcast_in_dim3A_510] : memref<2x160x32xf32, #tpu.memory_space<vmem>>[vector<16xi32>, vector<16xi32>, vector<16xi32>], vector<16xf32>,
        %gather3A_512 = tpu.vector_load_idx %arg12[%add3A_99, %add3A_110, %broadcast_in_dim3A_510] : memref<2x160x32xf32, #tpu.memory_space<vmem>>[vector<16xi32>, vector<16xi32>, vector<16xi32>], vector<16xf32>,
        %mul3A_513 = arith.mulf %gather3A_511, %gather3A_512 : vector<16xf32>
        %add3A_514 = arith.addf %add3A_493, %mul3A_513 : vector<16xf32>
        %gather3A_515 = tpu.vector_load_idx %arg13[%add3A_99, %add3A_116, %broadcast_in_dim3A_510] : memref<2x800x32xf32, #tpu.memory_space<vmem>>[vector<16xi32>, vector<16xi32>, vector<16xi32>], vector<16xf32>,
        %mul3A_516 = arith.mulf %gather3A_511, %gather3A_515 : vector<16xf32>
        %add3A_517 = arith.addf %add3A_496, %mul3A_516 : vector<16xf32>
        %gather3A_518 = tpu.vector_load_idx %arg13[%add3A_99, %add3A_122, %broadcast_in_dim3A_510] : memref<2x800x32xf32, #tpu.memory_space<vmem>>[vector<16xi32>, vector<16xi32>, vector<16xi32>], vector<16xf32>,
        %mul3A_519 = arith.mulf %gather3A_511, %gather3A_518 : vector<16xf32>
        %add3A_520 = arith.addf %add3A_499, %mul3A_519 : vector<16xf32>
        %gather3A_521 = tpu.vector_load_idx %arg13[%add3A_99, %add3A_128, %broadcast_in_dim3A_510] : memref<2x800x32xf32, #tpu.memory_space<vmem>>[vector<16xi32>, vector<16xi32>, vector<16xi32>], vector<16xf32>,
        %mul3A_522 = arith.mulf %gather3A_511, %gather3A_521 : vector<16xf32>
        %add3A_523 = arith.addf %add3A_502, %mul3A_522 : vector<16xf32>
        %gather3A_524 = tpu.vector_load_idx %arg13[%add3A_99, %add3A_134, %broadcast_in_dim3A_510] : memref<2x800x32xf32, #tpu.memory_space<vmem>>[vector<16xi32>, vector<16xi32>, vector<16xi32>], vector<16xf32>,
        %mul3A_525 = arith.mulf %gather3A_511, %gather3A_524 : vector<16xf32>
        %add3A_526 = arith.addf %add3A_505, %mul3A_525 : vector<16xf32>
        %gather3A_527 = tpu.vector_load_idx %arg13[%add3A_99, %add3A_140, %broadcast_in_dim3A_510] : memref<2x800x32xf32, #tpu.memory_space<vmem>>[vector<16xi32>, vector<16xi32>, vector<16xi32>], vector<16xf32>,
        %mul3A_528 = arith.mulf %gather3A_511, %gather3A_527 : vector<16xf32>
        %add3A_529 = arith.addf %add3A_508, %mul3A_528 : vector<16xf32>
        %broadcast_in_dim3A_530 = arith.constant 18 : i32
        %broadcast_in_dim3A_531 = vector.broadcast %broadcast_in_dim3A_530 : i32 to vector<16xi32>
        %gather3A_532 = tpu.vector_load_idx %arg11[%add3A_99, %add3A_110, %broadcast_in_dim3A_531] : memref<2x160x32xf32, #tpu.memory_space<vmem>>[vector<16xi32>, vector<16xi32>, vector<16xi32>], vector<16xf32>,
        %gather3A_533 = tpu.vector_load_idx %arg12[%add3A_99, %add3A_110, %broadcast_in_dim3A_531] : memref<2x160x32xf32, #tpu.memory_space<vmem>>[vector<16xi32>, vector<16xi32>, vector<16xi32>], vector<16xf32>,
        %mul3A_534 = arith.mulf %gather3A_532, %gather3A_533 : vector<16xf32>
        %add3A_535 = arith.addf %add3A_514, %mul3A_534 : vector<16xf32>
        %gather3A_536 = tpu.vector_load_idx %arg13[%add3A_99, %add3A_116, %broadcast_in_dim3A_531] : memref<2x800x32xf32, #tpu.memory_space<vmem>>[vector<16xi32>, vector<16xi32>, vector<16xi32>], vector<16xf32>,
        %mul3A_537 = arith.mulf %gather3A_532, %gather3A_536 : vector<16xf32>
        %add3A_538 = arith.addf %add3A_517, %mul3A_537 : vector<16xf32>
        %gather3A_539 = tpu.vector_load_idx %arg13[%add3A_99, %add3A_122, %broadcast_in_dim3A_531] : memref<2x800x32xf32, #tpu.memory_space<vmem>>[vector<16xi32>, vector<16xi32>, vector<16xi32>], vector<16xf32>,
        %mul3A_540 = arith.mulf %gather3A_532, %gather3A_539 : vector<16xf32>
        %add3A_541 = arith.addf %add3A_520, %mul3A_540 : vector<16xf32>
        %gather3A_542 = tpu.vector_load_idx %arg13[%add3A_99, %add3A_128, %broadcast_in_dim3A_531] : memref<2x800x32xf32, #tpu.memory_space<vmem>>[vector<16xi32>, vector<16xi32>, vector<16xi32>], vector<16xf32>,
        %mul3A_543 = arith.mulf %gather3A_532, %gather3A_542 : vector<16xf32>
        %add3A_544 = arith.addf %add3A_523, %mul3A_543 : vector<16xf32>
        %gather3A_545 = tpu.vector_load_idx %arg13[%add3A_99, %add3A_134, %broadcast_in_dim3A_531] : memref<2x800x32xf32, #tpu.memory_space<vmem>>[vector<16xi32>, vector<16xi32>, vector<16xi32>], vector<16xf32>,
        %mul3A_546 = arith.mulf %gather3A_532, %gather3A_545 : vector<16xf32>
        %add3A_547 = arith.addf %add3A_526, %mul3A_546 : vector<16xf32>
        %gather3A_548 = tpu.vector_load_idx %arg13[%add3A_99, %add3A_140, %broadcast_in_dim3A_531] : memref<2x800x32xf32, #tpu.memory_space<vmem>>[vector<16xi32>, vector<16xi32>, vector<16xi32>], vector<16xf32>,
        %mul3A_549 = arith.mulf %gather3A_532, %gather3A_548 : vector<16xf32>
        %add3A_550 = arith.addf %add3A_529, %mul3A_549 : vector<16xf32>
        %broadcast_in_dim3A_551 = arith.constant 19 : i32
        %broadcast_in_dim3A_552 = vector.broadcast %broadcast_in_dim3A_551 : i32 to vector<16xi32>
        %gather3A_553 = tpu.vector_load_idx %arg11[%add3A_99, %add3A_110, %broadcast_in_dim3A_552] : memref<2x160x32xf32, #tpu.memory_space<vmem>>[vector<16xi32>, vector<16xi32>, vector<16xi32>], vector<16xf32>,
        %gather3A_554 = tpu.vector_load_idx %arg12[%add3A_99, %add3A_110, %broadcast_in_dim3A_552] : memref<2x160x32xf32, #tpu.memory_space<vmem>>[vector<16xi32>, vector<16xi32>, vector<16xi32>], vector<16xf32>,
        %mul3A_555 = arith.mulf %gather3A_553, %gather3A_554 : vector<16xf32>
        %add3A_556 = arith.addf %add3A_535, %mul3A_555 : vector<16xf32>
        %gather3A_557 = tpu.vector_load_idx %arg13[%add3A_99, %add3A_116, %broadcast_in_dim3A_552] : memref<2x800x32xf32, #tpu.memory_space<vmem>>[vector<16xi32>, vector<16xi32>, vector<16xi32>], vector<16xf32>,
        %mul3A_558 = arith.mulf %gather3A_553, %gather3A_557 : vector<16xf32>
        %add3A_559 = arith.addf %add3A_538, %mul3A_558 : vector<16xf32>
        %gather3A_560 = tpu.vector_load_idx %arg13[%add3A_99, %add3A_122, %broadcast_in_dim3A_552] : memref<2x800x32xf32, #tpu.memory_space<vmem>>[vector<16xi32>, vector<16xi32>, vector<16xi32>], vector<16xf32>,
        %mul3A_561 = arith.mulf %gather3A_553, %gather3A_560 : vector<16xf32>
        %add3A_562 = arith.addf %add3A_541, %mul3A_561 : vector<16xf32>
        %gather3A_563 = tpu.vector_load_idx %arg13[%add3A_99, %add3A_128, %broadcast_in_dim3A_552] : memref<2x800x32xf32, #tpu.memory_space<vmem>>[vector<16xi32>, vector<16xi32>, vector<16xi32>], vector<16xf32>,
        %mul3A_564 = arith.mulf %gather3A_553, %gather3A_563 : vector<16xf32>
        %add3A_565 = arith.addf %add3A_544, %mul3A_564 : vector<16xf32>
        %gather3A_566 = tpu.vector_load_idx %arg13[%add3A_99, %add3A_134, %broadcast_in_dim3A_552] : memref<2x800x32xf32, #tpu.memory_space<vmem>>[vector<16xi32>, vector<16xi32>, vector<16xi32>], vector<16xf32>,
        %mul3A_567 = arith.mulf %gather3A_553, %gather3A_566 : vector<16xf32>
        %add3A_568 = arith.addf %add3A_547, %mul3A_567 : vector<16xf32>
        %gather3A_569 = tpu.vector_load_idx %arg13[%add3A_99, %add3A_140, %broadcast_in_dim3A_552] : memref<2x800x32xf32, #tpu.memory_space<vmem>>[vector<16xi32>, vector<16xi32>, vector<16xi32>], vector<16xf32>,
        %mul3A_570 = arith.mulf %gather3A_553, %gather3A_569 : vector<16xf32>
        %add3A_571 = arith.addf %add3A_550, %mul3A_570 : vector<16xf32>
        %broadcast_in_dim3A_572 = arith.constant 20 : i32
        %broadcast_in_dim3A_573 = vector.broadcast %broadcast_in_dim3A_572 : i32 to vector<16xi32>
        %gather3A_574 = tpu.vector_load_idx %arg11[%add3A_99, %add3A_110, %broadcast_in_dim3A_573] : memref<2x160x32xf32, #tpu.memory_space<vmem>>[vector<16xi32>, vector<16xi32>, vector<16xi32>], vector<16xf32>,
        %gather3A_575 = tpu.vector_load_idx %arg12[%add3A_99, %add3A_110, %broadcast_in_dim3A_573] : memref<2x160x32xf32, #tpu.memory_space<vmem>>[vector<16xi32>, vector<16xi32>, vector<16xi32>], vector<16xf32>,
        %mul3A_576 = arith.mulf %gather3A_574, %gather3A_575 : vector<16xf32>
        %add3A_577 = arith.addf %add3A_556, %mul3A_576 : vector<16xf32>
        %gather3A_578 = tpu.vector_load_idx %arg13[%add3A_99, %add3A_116, %broadcast_in_dim3A_573] : memref<2x800x32xf32, #tpu.memory_space<vmem>>[vector<16xi32>, vector<16xi32>, vector<16xi32>], vector<16xf32>,
        %mul3A_579 = arith.mulf %gather3A_574, %gather3A_578 : vector<16xf32>
        %add3A_580 = arith.addf %add3A_559, %mul3A_579 : vector<16xf32>
        %gather3A_581 = tpu.vector_load_idx %arg13[%add3A_99, %add3A_122, %broadcast_in_dim3A_573] : memref<2x800x32xf32, #tpu.memory_space<vmem>>[vector<16xi32>, vector<16xi32>, vector<16xi32>], vector<16xf32>,
        %mul3A_582 = arith.mulf %gather3A_574, %gather3A_581 : vector<16xf32>
        %add3A_583 = arith.addf %add3A_562, %mul3A_582 : vector<16xf32>
        %gather3A_584 = tpu.vector_load_idx %arg13[%add3A_99, %add3A_128, %broadcast_in_dim3A_573] : memref<2x800x32xf32, #tpu.memory_space<vmem>>[vector<16xi32>, vector<16xi32>, vector<16xi32>], vector<16xf32>,
        %mul3A_585 = arith.mulf %gather3A_574, %gather3A_584 : vector<16xf32>
        %add3A_586 = arith.addf %add3A_565, %mul3A_585 : vector<16xf32>
        %gather3A_587 = tpu.vector_load_idx %arg13[%add3A_99, %add3A_134, %broadcast_in_dim3A_573] : memref<2x800x32xf32, #tpu.memory_space<vmem>>[vector<16xi32>, vector<16xi32>, vector<16xi32>], vector<16xf32>,
        %mul3A_588 = arith.mulf %gather3A_574, %gather3A_587 : vector<16xf32>
        %add3A_589 = arith.addf %add3A_568, %mul3A_588 : vector<16xf32>
        %gather3A_590 = tpu.vector_load_idx %arg13[%add3A_99, %add3A_140, %broadcast_in_dim3A_573] : memref<2x800x32xf32, #tpu.memory_space<vmem>>[vector<16xi32>, vector<16xi32>, vector<16xi32>], vector<16xf32>,
        %mul3A_591 = arith.mulf %gather3A_574, %gather3A_590 : vector<16xf32>
        %add3A_592 = arith.addf %add3A_571, %mul3A_591 : vector<16xf32>
        %broadcast_in_dim3A_593 = arith.constant 21 : i32
        %broadcast_in_dim3A_594 = vector.broadcast %broadcast_in_dim3A_593 : i32 to vector<16xi32>
        %gather3A_595 = tpu.vector_load_idx %arg11[%add3A_99, %add3A_110, %broadcast_in_dim3A_594] : memref<2x160x32xf32, #tpu.memory_space<vmem>>[vector<16xi32>, vector<16xi32>, vector<16xi32>], vector<16xf32>,
        %gather3A_596 = tpu.vector_load_idx %arg12[%add3A_99, %add3A_110, %broadcast_in_dim3A_594] : memref<2x160x32xf32, #tpu.memory_space<vmem>>[vector<16xi32>, vector<16xi32>, vector<16xi32>], vector<16xf32>,
        %mul3A_597 = arith.mulf %gather3A_595, %gather3A_596 : vector<16xf32>
        %add3A_598 = arith.addf %add3A_577, %mul3A_597 : vector<16xf32>
        %gather3A_599 = tpu.vector_load_idx %arg13[%add3A_99, %add3A_116, %broadcast_in_dim3A_594] : memref<2x800x32xf32, #tpu.memory_space<vmem>>[vector<16xi32>, vector<16xi32>, vector<16xi32>], vector<16xf32>,
        %mul3A_600 = arith.mulf %gather3A_595, %gather3A_599 : vector<16xf32>
        %add3A_601 = arith.addf %add3A_580, %mul3A_600 : vector<16xf32>
        %gather3A_602 = tpu.vector_load_idx %arg13[%add3A_99, %add3A_122, %broadcast_in_dim3A_594] : memref<2x800x32xf32, #tpu.memory_space<vmem>>[vector<16xi32>, vector<16xi32>, vector<16xi32>], vector<16xf32>,
        %mul3A_603 = arith.mulf %gather3A_595, %gather3A_602 : vector<16xf32>
        %add3A_604 = arith.addf %add3A_583, %mul3A_603 : vector<16xf32>
        %gather3A_605 = tpu.vector_load_idx %arg13[%add3A_99, %add3A_128, %broadcast_in_dim3A_594] : memref<2x800x32xf32, #tpu.memory_space<vmem>>[vector<16xi32>, vector<16xi32>, vector<16xi32>], vector<16xf32>,
        %mul3A_606 = arith.mulf %gather3A_595, %gather3A_605 : vector<16xf32>
        %add3A_607 = arith.addf %add3A_586, %mul3A_606 : vector<16xf32>
        %gather3A_608 = tpu.vector_load_idx %arg13[%add3A_99, %add3A_134, %broadcast_in_dim3A_594] : memref<2x800x32xf32, #tpu.memory_space<vmem>>[vector<16xi32>, vector<16xi32>, vector<16xi32>], vector<16xf32>,
        %mul3A_609 = arith.mulf %gather3A_595, %gather3A_608 : vector<16xf32>
        %add3A_610 = arith.addf %add3A_589, %mul3A_609 : vector<16xf32>
        %gather3A_611 = tpu.vector_load_idx %arg13[%add3A_99, %add3A_140, %broadcast_in_dim3A_594] : memref<2x800x32xf32, #tpu.memory_space<vmem>>[vector<16xi32>, vector<16xi32>, vector<16xi32>], vector<16xf32>,
        %mul3A_612 = arith.mulf %gather3A_595, %gather3A_611 : vector<16xf32>
        %add3A_613 = arith.addf %add3A_592, %mul3A_612 : vector<16xf32>
        %broadcast_in_dim3A_614 = arith.constant 22 : i32
        %broadcast_in_dim3A_615 = vector.broadcast %broadcast_in_dim3A_614 : i32 to vector<16xi32>
        %gather3A_616 = tpu.vector_load_idx %arg11[%add3A_99, %add3A_110, %broadcast_in_dim3A_615] : memref<2x160x32xf32, #tpu.memory_space<vmem>>[vector<16xi32>, vector<16xi32>, vector<16xi32>], vector<16xf32>,
        %gather3A_617 = tpu.vector_load_idx %arg12[%add3A_99, %add3A_110, %broadcast_in_dim3A_615] : memref<2x160x32xf32, #tpu.memory_space<vmem>>[vector<16xi32>, vector<16xi32>, vector<16xi32>], vector<16xf32>,
        %mul3A_618 = arith.mulf %gather3A_616, %gather3A_617 : vector<16xf32>
        %add3A_619 = arith.addf %add3A_598, %mul3A_618 : vector<16xf32>
        %gather3A_620 = tpu.vector_load_idx %arg13[%add3A_99, %add3A_116, %broadcast_in_dim3A_615] : memref<2x800x32xf32, #tpu.memory_space<vmem>>[vector<16xi32>, vector<16xi32>, vector<16xi32>], vector<16xf32>,
        %mul3A_621 = arith.mulf %gather3A_616, %gather3A_620 : vector<16xf32>
        %add3A_622 = arith.addf %add3A_601, %mul3A_621 : vector<16xf32>
        %gather3A_623 = tpu.vector_load_idx %arg13[%add3A_99, %add3A_122, %broadcast_in_dim3A_615] : memref<2x800x32xf32, #tpu.memory_space<vmem>>[vector<16xi32>, vector<16xi32>, vector<16xi32>], vector<16xf32>,
        %mul3A_624 = arith.mulf %gather3A_616, %gather3A_623 : vector<16xf32>
        %add3A_625 = arith.addf %add3A_604, %mul3A_624 : vector<16xf32>
        %gather3A_626 = tpu.vector_load_idx %arg13[%add3A_99, %add3A_128, %broadcast_in_dim3A_615] : memref<2x800x32xf32, #tpu.memory_space<vmem>>[vector<16xi32>, vector<16xi32>, vector<16xi32>], vector<16xf32>,
        %mul3A_627 = arith.mulf %gather3A_616, %gather3A_626 : vector<16xf32>
        %add3A_628 = arith.addf %add3A_607, %mul3A_627 : vector<16xf32>
        %gather3A_629 = tpu.vector_load_idx %arg13[%add3A_99, %add3A_134, %broadcast_in_dim3A_615] : memref<2x800x32xf32, #tpu.memory_space<vmem>>[vector<16xi32>, vector<16xi32>, vector<16xi32>], vector<16xf32>,
        %mul3A_630 = arith.mulf %gather3A_616, %gather3A_629 : vector<16xf32>
        %add3A_631 = arith.addf %add3A_610, %mul3A_630 : vector<16xf32>
        %gather3A_632 = tpu.vector_load_idx %arg13[%add3A_99, %add3A_140, %broadcast_in_dim3A_615] : memref<2x800x32xf32, #tpu.memory_space<vmem>>[vector<16xi32>, vector<16xi32>, vector<16xi32>], vector<16xf32>,
        %mul3A_633 = arith.mulf %gather3A_616, %gather3A_632 : vector<16xf32>
        %add3A_634 = arith.addf %add3A_613, %mul3A_633 : vector<16xf32>
        %broadcast_in_dim3A_635 = arith.constant 23 : i32
        %broadcast_in_dim3A_636 = vector.broadcast %broadcast_in_dim3A_635 : i32 to vector<16xi32>
        %gather3A_637 = tpu.vector_load_idx %arg11[%add3A_99, %add3A_110, %broadcast_in_dim3A_636] : memref<2x160x32xf32, #tpu.memory_space<vmem>>[vector<16xi32>, vector<16xi32>, vector<16xi32>], vector<16xf32>,
        %gather3A_638 = tpu.vector_load_idx %arg12[%add3A_99, %add3A_110, %broadcast_in_dim3A_636] : memref<2x160x32xf32, #tpu.memory_space<vmem>>[vector<16xi32>, vector<16xi32>, vector<16xi32>], vector<16xf32>,
        %mul3A_639 = arith.mulf %gather3A_637, %gather3A_638 : vector<16xf32>
        %add3A_640 = arith.addf %add3A_619, %mul3A_639 : vector<16xf32>
        %gather3A_641 = tpu.vector_load_idx %arg13[%add3A_99, %add3A_116, %broadcast_in_dim3A_636] : memref<2x800x32xf32, #tpu.memory_space<vmem>>[vector<16xi32>, vector<16xi32>, vector<16xi32>], vector<16xf32>,
        %mul3A_642 = arith.mulf %gather3A_637, %gather3A_641 : vector<16xf32>
        %add3A_643 = arith.addf %add3A_622, %mul3A_642 : vector<16xf32>
        %gather3A_644 = tpu.vector_load_idx %arg13[%add3A_99, %add3A_122, %broadcast_in_dim3A_636] : memref<2x800x32xf32, #tpu.memory_space<vmem>>[vector<16xi32>, vector<16xi32>, vector<16xi32>], vector<16xf32>,
        %mul3A_645 = arith.mulf %gather3A_637, %gather3A_644 : vector<16xf32>
        %add3A_646 = arith.addf %add3A_625, %mul3A_645 : vector<16xf32>
        %gather3A_647 = tpu.vector_load_idx %arg13[%add3A_99, %add3A_128, %broadcast_in_dim3A_636] : memref<2x800x32xf32, #tpu.memory_space<vmem>>[vector<16xi32>, vector<16xi32>, vector<16xi32>], vector<16xf32>,
        %mul3A_648 = arith.mulf %gather3A_637, %gather3A_647 : vector<16xf32>
        %add3A_649 = arith.addf %add3A_628, %mul3A_648 : vector<16xf32>
        %gather3A_650 = tpu.vector_load_idx %arg13[%add3A_99, %add3A_134, %broadcast_in_dim3A_636] : memref<2x800x32xf32, #tpu.memory_space<vmem>>[vector<16xi32>, vector<16xi32>, vector<16xi32>], vector<16xf32>,
        %mul3A_651 = arith.mulf %gather3A_637, %gather3A_650 : vector<16xf32>
        %add3A_652 = arith.addf %add3A_631, %mul3A_651 : vector<16xf32>
        %gather3A_653 = tpu.vector_load_idx %arg13[%add3A_99, %add3A_140, %broadcast_in_dim3A_636] : memref<2x800x32xf32, #tpu.memory_space<vmem>>[vector<16xi32>, vector<16xi32>, vector<16xi32>], vector<16xf32>,
        %mul3A_654 = arith.mulf %gather3A_637, %gather3A_653 : vector<16xf32>
        %add3A_655 = arith.addf %add3A_634, %mul3A_654 : vector<16xf32>
        %broadcast_in_dim3A_656 = arith.constant 24 : i32
        %broadcast_in_dim3A_657 = vector.broadcast %broadcast_in_dim3A_656 : i32 to vector<16xi32>
        %gather3A_658 = tpu.vector_load_idx %arg11[%add3A_99, %add3A_110, %broadcast_in_dim3A_657] : memref<2x160x32xf32, #tpu.memory_space<vmem>>[vector<16xi32>, vector<16xi32>, vector<16xi32>], vector<16xf32>,
        %gather3A_659 = tpu.vector_load_idx %arg12[%add3A_99, %add3A_110, %broadcast_in_dim3A_657] : memref<2x160x32xf32, #tpu.memory_space<vmem>>[vector<16xi32>, vector<16xi32>, vector<16xi32>], vector<16xf32>,
        %mul3A_660 = arith.mulf %gather3A_658, %gather3A_659 : vector<16xf32>
        %add3A_661 = arith.addf %add3A_640, %mul3A_660 : vector<16xf32>
        %gather3A_662 = tpu.vector_load_idx %arg13[%add3A_99, %add3A_116, %broadcast_in_dim3A_657] : memref<2x800x32xf32, #tpu.memory_space<vmem>>[vector<16xi32>, vector<16xi32>, vector<16xi32>], vector<16xf32>,
        %mul3A_663 = arith.mulf %gather3A_658, %gather3A_662 : vector<16xf32>
        %add3A_664 = arith.addf %add3A_643, %mul3A_663 : vector<16xf32>
        %gather3A_665 = tpu.vector_load_idx %arg13[%add3A_99, %add3A_122, %broadcast_in_dim3A_657] : memref<2x800x32xf32, #tpu.memory_space<vmem>>[vector<16xi32>, vector<16xi32>, vector<16xi32>], vector<16xf32>,
        %mul3A_666 = arith.mulf %gather3A_658, %gather3A_665 : vector<16xf32>
        %add3A_667 = arith.addf %add3A_646, %mul3A_666 : vector<16xf32>
        %gather3A_668 = tpu.vector_load_idx %arg13[%add3A_99, %add3A_128, %broadcast_in_dim3A_657] : memref<2x800x32xf32, #tpu.memory_space<vmem>>[vector<16xi32>, vector<16xi32>, vector<16xi32>], vector<16xf32>,
        %mul3A_669 = arith.mulf %gather3A_658, %gather3A_668 : vector<16xf32>
        %add3A_670 = arith.addf %add3A_649, %mul3A_669 : vector<16xf32>
        %gather3A_671 = tpu.vector_load_idx %arg13[%add3A_99, %add3A_134, %broadcast_in_dim3A_657] : memref<2x800x32xf32, #tpu.memory_space<vmem>>[vector<16xi32>, vector<16xi32>, vector<16xi32>], vector<16xf32>,
        %mul3A_672 = arith.mulf %gather3A_658, %gather3A_671 : vector<16xf32>
        %add3A_673 = arith.addf %add3A_652, %mul3A_672 : vector<16xf32>
        %gather3A_674 = tpu.vector_load_idx %arg13[%add3A_99, %add3A_140, %broadcast_in_dim3A_657] : memref<2x800x32xf32, #tpu.memory_space<vmem>>[vector<16xi32>, vector<16xi32>, vector<16xi32>], vector<16xf32>,
        %mul3A_675 = arith.mulf %gather3A_658, %gather3A_674 : vector<16xf32>
        %add3A_676 = arith.addf %add3A_655, %mul3A_675 : vector<16xf32>
        %broadcast_in_dim3A_677 = arith.constant 25 : i32
        %broadcast_in_dim3A_678 = vector.broadcast %broadcast_in_dim3A_677 : i32 to vector<16xi32>
        %gather3A_679 = tpu.vector_load_idx %arg11[%add3A_99, %add3A_110, %broadcast_in_dim3A_678] : memref<2x160x32xf32, #tpu.memory_space<vmem>>[vector<16xi32>, vector<16xi32>, vector<16xi32>], vector<16xf32>,
        %gather3A_680 = tpu.vector_load_idx %arg12[%add3A_99, %add3A_110, %broadcast_in_dim3A_678] : memref<2x160x32xf32, #tpu.memory_space<vmem>>[vector<16xi32>, vector<16xi32>, vector<16xi32>], vector<16xf32>,
        %mul3A_681 = arith.mulf %gather3A_679, %gather3A_680 : vector<16xf32>
        %add3A_682 = arith.addf %add3A_661, %mul3A_681 : vector<16xf32>
        %gather3A_683 = tpu.vector_load_idx %arg13[%add3A_99, %add3A_116, %broadcast_in_dim3A_678] : memref<2x800x32xf32, #tpu.memory_space<vmem>>[vector<16xi32>, vector<16xi32>, vector<16xi32>], vector<16xf32>,
        %mul3A_684 = arith.mulf %gather3A_679, %gather3A_683 : vector<16xf32>
        %add3A_685 = arith.addf %add3A_664, %mul3A_684 : vector<16xf32>
        %gather3A_686 = tpu.vector_load_idx %arg13[%add3A_99, %add3A_122, %broadcast_in_dim3A_678] : memref<2x800x32xf32, #tpu.memory_space<vmem>>[vector<16xi32>, vector<16xi32>, vector<16xi32>], vector<16xf32>,
        %mul3A_687 = arith.mulf %gather3A_679, %gather3A_686 : vector<16xf32>
        %add3A_688 = arith.addf %add3A_667, %mul3A_687 : vector<16xf32>
        %gather3A_689 = tpu.vector_load_idx %arg13[%add3A_99, %add3A_128, %broadcast_in_dim3A_678] : memref<2x800x32xf32, #tpu.memory_space<vmem>>[vector<16xi32>, vector<16xi32>, vector<16xi32>], vector<16xf32>,
        %mul3A_690 = arith.mulf %gather3A_679, %gather3A_689 : vector<16xf32>
        %add3A_691 = arith.addf %add3A_670, %mul3A_690 : vector<16xf32>
        %gather3A_692 = tpu.vector_load_idx %arg13[%add3A_99, %add3A_134, %broadcast_in_dim3A_678] : memref<2x800x32xf32, #tpu.memory_space<vmem>>[vector<16xi32>, vector<16xi32>, vector<16xi32>], vector<16xf32>,
        %mul3A_693 = arith.mulf %gather3A_679, %gather3A_692 : vector<16xf32>
        %add3A_694 = arith.addf %add3A_673, %mul3A_693 : vector<16xf32>
        %gather3A_695 = tpu.vector_load_idx %arg13[%add3A_99, %add3A_140, %broadcast_in_dim3A_678] : memref<2x800x32xf32, #tpu.memory_space<vmem>>[vector<16xi32>, vector<16xi32>, vector<16xi32>], vector<16xf32>,
        %mul3A_696 = arith.mulf %gather3A_679, %gather3A_695 : vector<16xf32>
        %add3A_697 = arith.addf %add3A_676, %mul3A_696 : vector<16xf32>
        %broadcast_in_dim3A_698 = arith.constant 26 : i32
        %broadcast_in_dim3A_699 = vector.broadcast %broadcast_in_dim3A_698 : i32 to vector<16xi32>
        %gather3A_700 = tpu.vector_load_idx %arg11[%add3A_99, %add3A_110, %broadcast_in_dim3A_699] : memref<2x160x32xf32, #tpu.memory_space<vmem>>[vector<16xi32>, vector<16xi32>, vector<16xi32>], vector<16xf32>,
        %gather3A_701 = tpu.vector_load_idx %arg12[%add3A_99, %add3A_110, %broadcast_in_dim3A_699] : memref<2x160x32xf32, #tpu.memory_space<vmem>>[vector<16xi32>, vector<16xi32>, vector<16xi32>], vector<16xf32>,
        %mul3A_702 = arith.mulf %gather3A_700, %gather3A_701 : vector<16xf32>
        %add3A_703 = arith.addf %add3A_682, %mul3A_702 : vector<16xf32>
        %gather3A_704 = tpu.vector_load_idx %arg13[%add3A_99, %add3A_116, %broadcast_in_dim3A_699] : memref<2x800x32xf32, #tpu.memory_space<vmem>>[vector<16xi32>, vector<16xi32>, vector<16xi32>], vector<16xf32>,
        %mul3A_705 = arith.mulf %gather3A_700, %gather3A_704 : vector<16xf32>
        %add3A_706 = arith.addf %add3A_685, %mul3A_705 : vector<16xf32>
        %gather3A_707 = tpu.vector_load_idx %arg13[%add3A_99, %add3A_122, %broadcast_in_dim3A_699] : memref<2x800x32xf32, #tpu.memory_space<vmem>>[vector<16xi32>, vector<16xi32>, vector<16xi32>], vector<16xf32>,
        %mul3A_708 = arith.mulf %gather3A_700, %gather3A_707 : vector<16xf32>
        %add3A_709 = arith.addf %add3A_688, %mul3A_708 : vector<16xf32>
        %gather3A_710 = tpu.vector_load_idx %arg13[%add3A_99, %add3A_128, %broadcast_in_dim3A_699] : memref<2x800x32xf32, #tpu.memory_space<vmem>>[vector<16xi32>, vector<16xi32>, vector<16xi32>], vector<16xf32>,
        %mul3A_711 = arith.mulf %gather3A_700, %gather3A_710 : vector<16xf32>
        %add3A_712 = arith.addf %add3A_691, %mul3A_711 : vector<16xf32>
        %gather3A_713 = tpu.vector_load_idx %arg13[%add3A_99, %add3A_134, %broadcast_in_dim3A_699] : memref<2x800x32xf32, #tpu.memory_space<vmem>>[vector<16xi32>, vector<16xi32>, vector<16xi32>], vector<16xf32>,
        %mul3A_714 = arith.mulf %gather3A_700, %gather3A_713 : vector<16xf32>
        %add3A_715 = arith.addf %add3A_694, %mul3A_714 : vector<16xf32>
        %gather3A_716 = tpu.vector_load_idx %arg13[%add3A_99, %add3A_140, %broadcast_in_dim3A_699] : memref<2x800x32xf32, #tpu.memory_space<vmem>>[vector<16xi32>, vector<16xi32>, vector<16xi32>], vector<16xf32>,
        %mul3A_717 = arith.mulf %gather3A_700, %gather3A_716 : vector<16xf32>
        %add3A_718 = arith.addf %add3A_697, %mul3A_717 : vector<16xf32>
        %broadcast_in_dim3A_719 = arith.constant 27 : i32
        %broadcast_in_dim3A_720 = vector.broadcast %broadcast_in_dim3A_719 : i32 to vector<16xi32>
        %gather3A_721 = tpu.vector_load_idx %arg11[%add3A_99, %add3A_110, %broadcast_in_dim3A_720] : memref<2x160x32xf32, #tpu.memory_space<vmem>>[vector<16xi32>, vector<16xi32>, vector<16xi32>], vector<16xf32>,
        %gather3A_722 = tpu.vector_load_idx %arg12[%add3A_99, %add3A_110, %broadcast_in_dim3A_720] : memref<2x160x32xf32, #tpu.memory_space<vmem>>[vector<16xi32>, vector<16xi32>, vector<16xi32>], vector<16xf32>,
        %mul3A_723 = arith.mulf %gather3A_721, %gather3A_722 : vector<16xf32>
        %add3A_724 = arith.addf %add3A_703, %mul3A_723 : vector<16xf32>
        %gather3A_725 = tpu.vector_load_idx %arg13[%add3A_99, %add3A_116, %broadcast_in_dim3A_720] : memref<2x800x32xf32, #tpu.memory_space<vmem>>[vector<16xi32>, vector<16xi32>, vector<16xi32>], vector<16xf32>,
        %mul3A_726 = arith.mulf %gather3A_721, %gather3A_725 : vector<16xf32>
        %add3A_727 = arith.addf %add3A_706, %mul3A_726 : vector<16xf32>
        %gather3A_728 = tpu.vector_load_idx %arg13[%add3A_99, %add3A_122, %broadcast_in_dim3A_720] : memref<2x800x32xf32, #tpu.memory_space<vmem>>[vector<16xi32>, vector<16xi32>, vector<16xi32>], vector<16xf32>,
        %mul3A_729 = arith.mulf %gather3A_721, %gather3A_728 : vector<16xf32>
        %add3A_730 = arith.addf %add3A_709, %mul3A_729 : vector<16xf32>
        %gather3A_731 = tpu.vector_load_idx %arg13[%add3A_99, %add3A_128, %broadcast_in_dim3A_720] : memref<2x800x32xf32, #tpu.memory_space<vmem>>[vector<16xi32>, vector<16xi32>, vector<16xi32>], vector<16xf32>,
        %mul3A_732 = arith.mulf %gather3A_721, %gather3A_731 : vector<16xf32>
        %add3A_733 = arith.addf %add3A_712, %mul3A_732 : vector<16xf32>
        %gather3A_734 = tpu.vector_load_idx %arg13[%add3A_99, %add3A_134, %broadcast_in_dim3A_720] : memref<2x800x32xf32, #tpu.memory_space<vmem>>[vector<16xi32>, vector<16xi32>, vector<16xi32>], vector<16xf32>,
        %mul3A_735 = arith.mulf %gather3A_721, %gather3A_734 : vector<16xf32>
        %add3A_736 = arith.addf %add3A_715, %mul3A_735 : vector<16xf32>
        %gather3A_737 = tpu.vector_load_idx %arg13[%add3A_99, %add3A_140, %broadcast_in_dim3A_720] : memref<2x800x32xf32, #tpu.memory_space<vmem>>[vector<16xi32>, vector<16xi32>, vector<16xi32>], vector<16xf32>,
        %mul3A_738 = arith.mulf %gather3A_721, %gather3A_737 : vector<16xf32>
        %add3A_739 = arith.addf %add3A_718, %mul3A_738 : vector<16xf32>
        %broadcast_in_dim3A_740 = arith.constant 28 : i32
        %broadcast_in_dim3A_741 = vector.broadcast %broadcast_in_dim3A_740 : i32 to vector<16xi32>
        %gather3A_742 = tpu.vector_load_idx %arg11[%add3A_99, %add3A_110, %broadcast_in_dim3A_741] : memref<2x160x32xf32, #tpu.memory_space<vmem>>[vector<16xi32>, vector<16xi32>, vector<16xi32>], vector<16xf32>,
        %gather3A_743 = tpu.vector_load_idx %arg12[%add3A_99, %add3A_110, %broadcast_in_dim3A_741] : memref<2x160x32xf32, #tpu.memory_space<vmem>>[vector<16xi32>, vector<16xi32>, vector<16xi32>], vector<16xf32>,
        %mul3A_744 = arith.mulf %gather3A_742, %gather3A_743 : vector<16xf32>
        %add3A_745 = arith.addf %add3A_724, %mul3A_744 : vector<16xf32>
        %gather3A_746 = tpu.vector_load_idx %arg13[%add3A_99, %add3A_116, %broadcast_in_dim3A_741] : memref<2x800x32xf32, #tpu.memory_space<vmem>>[vector<16xi32>, vector<16xi32>, vector<16xi32>], vector<16xf32>,
        %mul3A_747 = arith.mulf %gather3A_742, %gather3A_746 : vector<16xf32>
        %add3A_748 = arith.addf %add3A_727, %mul3A_747 : vector<16xf32>
        %gather3A_749 = tpu.vector_load_idx %arg13[%add3A_99, %add3A_122, %broadcast_in_dim3A_741] : memref<2x800x32xf32, #tpu.memory_space<vmem>>[vector<16xi32>, vector<16xi32>, vector<16xi32>], vector<16xf32>,
        %mul3A_750 = arith.mulf %gather3A_742, %gather3A_749 : vector<16xf32>
        %add3A_751 = arith.addf %add3A_730, %mul3A_750 : vector<16xf32>
        %gather3A_752 = tpu.vector_load_idx %arg13[%add3A_99, %add3A_128, %broadcast_in_dim3A_741] : memref<2x800x32xf32, #tpu.memory_space<vmem>>[vector<16xi32>, vector<16xi32>, vector<16xi32>], vector<16xf32>,
        %mul3A_753 = arith.mulf %gather3A_742, %gather3A_752 : vector<16xf32>
        %add3A_754 = arith.addf %add3A_733, %mul3A_753 : vector<16xf32>
        %gather3A_755 = tpu.vector_load_idx %arg13[%add3A_99, %add3A_134, %broadcast_in_dim3A_741] : memref<2x800x32xf32, #tpu.memory_space<vmem>>[vector<16xi32>, vector<16xi32>, vector<16xi32>], vector<16xf32>,
        %mul3A_756 = arith.mulf %gather3A_742, %gather3A_755 : vector<16xf32>
        %add3A_757 = arith.addf %add3A_736, %mul3A_756 : vector<16xf32>
        %gather3A_758 = tpu.vector_load_idx %arg13[%add3A_99, %add3A_140, %broadcast_in_dim3A_741] : memref<2x800x32xf32, #tpu.memory_space<vmem>>[vector<16xi32>, vector<16xi32>, vector<16xi32>], vector<16xf32>,
        %mul3A_759 = arith.mulf %gather3A_742, %gather3A_758 : vector<16xf32>
        %add3A_760 = arith.addf %add3A_739, %mul3A_759 : vector<16xf32>
        %broadcast_in_dim3A_761 = arith.constant 29 : i32
        %broadcast_in_dim3A_762 = vector.broadcast %broadcast_in_dim3A_761 : i32 to vector<16xi32>
        %gather3A_763 = tpu.vector_load_idx %arg11[%add3A_99, %add3A_110, %broadcast_in_dim3A_762] : memref<2x160x32xf32, #tpu.memory_space<vmem>>[vector<16xi32>, vector<16xi32>, vector<16xi32>], vector<16xf32>,
        %gather3A_764 = tpu.vector_load_idx %arg12[%add3A_99, %add3A_110, %broadcast_in_dim3A_762] : memref<2x160x32xf32, #tpu.memory_space<vmem>>[vector<16xi32>, vector<16xi32>, vector<16xi32>], vector<16xf32>,
        %mul3A_765 = arith.mulf %gather3A_763, %gather3A_764 : vector<16xf32>
        %add3A_766 = arith.addf %add3A_745, %mul3A_765 : vector<16xf32>
        %gather3A_767 = tpu.vector_load_idx %arg13[%add3A_99, %add3A_116, %broadcast_in_dim3A_762] : memref<2x800x32xf32, #tpu.memory_space<vmem>>[vector<16xi32>, vector<16xi32>, vector<16xi32>], vector<16xf32>,
        %mul3A_768 = arith.mulf %gather3A_763, %gather3A_767 : vector<16xf32>
        %add3A_769 = arith.addf %add3A_748, %mul3A_768 : vector<16xf32>
        %gather3A_770 = tpu.vector_load_idx %arg13[%add3A_99, %add3A_122, %broadcast_in_dim3A_762] : memref<2x800x32xf32, #tpu.memory_space<vmem>>[vector<16xi32>, vector<16xi32>, vector<16xi32>], vector<16xf32>,
        %mul3A_771 = arith.mulf %gather3A_763, %gather3A_770 : vector<16xf32>
        %add3A_772 = arith.addf %add3A_751, %mul3A_771 : vector<16xf32>
        %gather3A_773 = tpu.vector_load_idx %arg13[%add3A_99, %add3A_128, %broadcast_in_dim3A_762] : memref<2x800x32xf32, #tpu.memory_space<vmem>>[vector<16xi32>, vector<16xi32>, vector<16xi32>], vector<16xf32>,
        %mul3A_774 = arith.mulf %gather3A_763, %gather3A_773 : vector<16xf32>
        %add3A_775 = arith.addf %add3A_754, %mul3A_774 : vector<16xf32>
        %gather3A_776 = tpu.vector_load_idx %arg13[%add3A_99, %add3A_134, %broadcast_in_dim3A_762] : memref<2x800x32xf32, #tpu.memory_space<vmem>>[vector<16xi32>, vector<16xi32>, vector<16xi32>], vector<16xf32>,
        %mul3A_777 = arith.mulf %gather3A_763, %gather3A_776 : vector<16xf32>
        %add3A_778 = arith.addf %add3A_757, %mul3A_777 : vector<16xf32>
        %gather3A_779 = tpu.vector_load_idx %arg13[%add3A_99, %add3A_140, %broadcast_in_dim3A_762] : memref<2x800x32xf32, #tpu.memory_space<vmem>>[vector<16xi32>, vector<16xi32>, vector<16xi32>], vector<16xf32>,
        %mul3A_780 = arith.mulf %gather3A_763, %gather3A_779 : vector<16xf32>
        %add3A_781 = arith.addf %add3A_760, %mul3A_780 : vector<16xf32>
        %broadcast_in_dim3A_782 = arith.constant 30 : i32
        %broadcast_in_dim3A_783 = vector.broadcast %broadcast_in_dim3A_782 : i32 to vector<16xi32>
        %gather3A_784 = tpu.vector_load_idx %arg11[%add3A_99, %add3A_110, %broadcast_in_dim3A_783] : memref<2x160x32xf32, #tpu.memory_space<vmem>>[vector<16xi32>, vector<16xi32>, vector<16xi32>], vector<16xf32>,
        %gather3A_785 = tpu.vector_load_idx %arg12[%add3A_99, %add3A_110, %broadcast_in_dim3A_783] : memref<2x160x32xf32, #tpu.memory_space<vmem>>[vector<16xi32>, vector<16xi32>, vector<16xi32>], vector<16xf32>,
        %mul3A_786 = arith.mulf %gather3A_784, %gather3A_785 : vector<16xf32>
        %add3A_787 = arith.addf %add3A_766, %mul3A_786 : vector<16xf32>
        %gather3A_788 = tpu.vector_load_idx %arg13[%add3A_99, %add3A_116, %broadcast_in_dim3A_783] : memref<2x800x32xf32, #tpu.memory_space<vmem>>[vector<16xi32>, vector<16xi32>, vector<16xi32>], vector<16xf32>,
        %mul3A_789 = arith.mulf %gather3A_784, %gather3A_788 : vector<16xf32>
        %add3A_790 = arith.addf %add3A_769, %mul3A_789 : vector<16xf32>
        %gather3A_791 = tpu.vector_load_idx %arg13[%add3A_99, %add3A_122, %broadcast_in_dim3A_783] : memref<2x800x32xf32, #tpu.memory_space<vmem>>[vector<16xi32>, vector<16xi32>, vector<16xi32>], vector<16xf32>,
        %mul3A_792 = arith.mulf %gather3A_784, %gather3A_791 : vector<16xf32>
        %add3A_793 = arith.addf %add3A_772, %mul3A_792 : vector<16xf32>
        %gather3A_794 = tpu.vector_load_idx %arg13[%add3A_99, %add3A_128, %broadcast_in_dim3A_783] : memref<2x800x32xf32, #tpu.memory_space<vmem>>[vector<16xi32>, vector<16xi32>, vector<16xi32>], vector<16xf32>,
        %mul3A_795 = arith.mulf %gather3A_784, %gather3A_794 : vector<16xf32>
        %add3A_796 = arith.addf %add3A_775, %mul3A_795 : vector<16xf32>
        %gather3A_797 = tpu.vector_load_idx %arg13[%add3A_99, %add3A_134, %broadcast_in_dim3A_783] : memref<2x800x32xf32, #tpu.memory_space<vmem>>[vector<16xi32>, vector<16xi32>, vector<16xi32>], vector<16xf32>,
        %mul3A_798 = arith.mulf %gather3A_784, %gather3A_797 : vector<16xf32>
        %add3A_799 = arith.addf %add3A_778, %mul3A_798 : vector<16xf32>
        %gather3A_800 = tpu.vector_load_idx %arg13[%add3A_99, %add3A_140, %broadcast_in_dim3A_783] : memref<2x800x32xf32, #tpu.memory_space<vmem>>[vector<16xi32>, vector<16xi32>, vector<16xi32>], vector<16xf32>,
        %mul3A_801 = arith.mulf %gather3A_784, %gather3A_800 : vector<16xf32>
        %add3A_802 = arith.addf %add3A_781, %mul3A_801 : vector<16xf32>
        %broadcast_in_dim3A_803 = arith.constant 31 : i32
        %broadcast_in_dim3A_804 = vector.broadcast %broadcast_in_dim3A_803 : i32 to vector<16xi32>
        %gather3A_805 = tpu.vector_load_idx %arg11[%add3A_99, %add3A_110, %broadcast_in_dim3A_804] : memref<2x160x32xf32, #tpu.memory_space<vmem>>[vector<16xi32>, vector<16xi32>, vector<16xi32>], vector<16xf32>,
        %gather3A_806 = tpu.vector_load_idx %arg12[%add3A_99, %add3A_110, %broadcast_in_dim3A_804] : memref<2x160x32xf32, #tpu.memory_space<vmem>>[vector<16xi32>, vector<16xi32>, vector<16xi32>], vector<16xf32>,
        %mul3A_807 = arith.mulf %gather3A_805, %gather3A_806 : vector<16xf32>
        %add3A_808 = arith.addf %add3A_787, %mul3A_807 : vector<16xf32>
        %gather3A_809 = tpu.vector_load_idx %arg13[%add3A_99, %add3A_116, %broadcast_in_dim3A_804] : memref<2x800x32xf32, #tpu.memory_space<vmem>>[vector<16xi32>, vector<16xi32>, vector<16xi32>], vector<16xf32>,
        %mul3A_810 = arith.mulf %gather3A_805, %gather3A_809 : vector<16xf32>
        %add3A_811 = arith.addf %add3A_790, %mul3A_810 : vector<16xf32>
        %gather3A_812 = tpu.vector_load_idx %arg13[%add3A_99, %add3A_122, %broadcast_in_dim3A_804] : memref<2x800x32xf32, #tpu.memory_space<vmem>>[vector<16xi32>, vector<16xi32>, vector<16xi32>], vector<16xf32>,
        %mul3A_813 = arith.mulf %gather3A_805, %gather3A_812 : vector<16xf32>
        %add3A_814 = arith.addf %add3A_793, %mul3A_813 : vector<16xf32>
        %gather3A_815 = tpu.vector_load_idx %arg13[%add3A_99, %add3A_128, %broadcast_in_dim3A_804] : memref<2x800x32xf32, #tpu.memory_space<vmem>>[vector<16xi32>, vector<16xi32>, vector<16xi32>], vector<16xf32>,
        %mul3A_816 = arith.mulf %gather3A_805, %gather3A_815 : vector<16xf32>
        %add3A_817 = arith.addf %add3A_796, %mul3A_816 : vector<16xf32>
        %gather3A_818 = tpu.vector_load_idx %arg13[%add3A_99, %add3A_134, %broadcast_in_dim3A_804] : memref<2x800x32xf32, #tpu.memory_space<vmem>>[vector<16xi32>, vector<16xi32>, vector<16xi32>], vector<16xf32>,
        %mul3A_819 = arith.mulf %gather3A_805, %gather3A_818 : vector<16xf32>
        %add3A_820 = arith.addf %add3A_799, %mul3A_819 : vector<16xf32>
        %gather3A_821 = tpu.vector_load_idx %arg13[%add3A_99, %add3A_140, %broadcast_in_dim3A_804] : memref<2x800x32xf32, #tpu.memory_space<vmem>>[vector<16xi32>, vector<16xi32>, vector<16xi32>], vector<16xf32>,
        %mul3A_822 = arith.mulf %gather3A_805, %gather3A_821 : vector<16xf32>
        %add3A_823 = arith.addf %add3A_802, %mul3A_822 : vector<16xf32>
        %mul3A_824 = arith.constant 160 : i32
        %mul3A_825 = arith.muli %scan3A_60, %mul3A_824 : i32
        %mul3A_826 = arith.constant 16 : i32
        %mul3A_827 = arith.muli %scan3A_106, %mul3A_826 : i32
        %add3A_828 = arith.addi %mul3A_825, %mul3A_827 : i32
        %add3A_829 = arith.constant 0 : i32
        %add3A_830 = arith.addi %add3A_829, %add3A_828 : i32
        %swap3A = arith.index_cast %add3A_830 : i32 to index
        %swap3A_831 = tpu.vector_load %arg14[%swap3A] {strides = array<i32>} : memref<15360xf32, #tpu.memory_space<vmem>>, vector<16xf32>,
        tpu.vector_store %arg14[%swap3A], %add3A_808 {strides = array<i32>} : memref<15360xf32, #tpu.memory_space<vmem>>, vector<16xf32>,
        %add3A_832 = arith.constant 2560 : i32
        %add3A_833 = arith.addi %add3A_832, %add3A_828 : i32
        %swap3A_834 = arith.index_cast %add3A_833 : i32 to index
        %swap3A_835 = tpu.vector_load %arg14[%swap3A_834] {strides = array<i32>} : memref<15360xf32, #tpu.memory_space<vmem>>, vector<16xf32>,
        tpu.vector_store %arg14[%swap3A_834], %add3A_811 {strides = array<i32>} : memref<15360xf32, #tpu.memory_space<vmem>>, vector<16xf32>,
        %add3A_836 = arith.constant 5120 : i32
        %add3A_837 = arith.addi %add3A_836, %add3A_828 : i32
        %swap3A_838 = arith.index_cast %add3A_837 : i32 to index
        %swap3A_839 = tpu.vector_load %arg14[%swap3A_838] {strides = array<i32>} : memref<15360xf32, #tpu.memory_space<vmem>>, vector<16xf32>,
        tpu.vector_store %arg14[%swap3A_838], %add3A_814 {strides = array<i32>} : memref<15360xf32, #tpu.memory_space<vmem>>, vector<16xf32>,
        %add3A_840 = arith.constant 7680 : i32
        %add3A_841 = arith.addi %add3A_840, %add3A_828 : i32
        %swap3A_842 = arith.index_cast %add3A_841 : i32 to index
        %swap3A_843 = tpu.vector_load %arg14[%swap3A_842] {strides = array<i32>} : memref<15360xf32, #tpu.memory_space<vmem>>, vector<16xf32>,
        tpu.vector_store %arg14[%swap3A_842], %add3A_817 {strides = array<i32>} : memref<15360xf32, #tpu.memory_space<vmem>>, vector<16xf32>,
        %add3A_844 = arith.constant 10240 : i32
        %add3A_845 = arith.addi %add3A_844, %add3A_828 : i32
        %swap3A_846 = arith.index_cast %add3A_845 : i32 to index
        %swap3A_847 = tpu.vector_load %arg14[%swap3A_846] {strides = array<i32>} : memref<15360xf32, #tpu.memory_space<vmem>>, vector<16xf32>,
        tpu.vector_store %arg14[%swap3A_846], %add3A_820 {strides = array<i32>} : memref<15360xf32, #tpu.memory_space<vmem>>, vector<16xf32>,
        %add3A_848 = arith.constant 12800 : i32
        %add3A_849 = arith.addi %add3A_848, %add3A_828 : i32
        %swap3A_850 = arith.index_cast %add3A_849 : i32 to index
        %swap3A_851 = tpu.vector_load %arg14[%swap3A_850] {strides = array<i32>} : memref<15360xf32, #tpu.memory_space<vmem>>, vector<16xf32>,
        tpu.vector_store %arg14[%swap3A_850], %add3A_823 {strides = array<i32>} : memref<15360xf32, #tpu.memory_space<vmem>>, vector<16xf32>,
      }
      %scan3A_105 = arith.constant 10 : i32
    }
    %scan3A_42 = arith.constant 16 : i32
    %mul3A_43 = arith.constant 2560 : i32
    %mul3A_44 = arith.muli %add3A, %mul3A_43 : i32
    %run_scoped3A = arith.constant 0 : i32
    "tpu.region"() ({
      %run_scoped3A_60 = tpu.sem_alloc : memref<!tpu.dma_semaphore, #tpu.memory_space<semaphore_mem>>
      %dma_start3A_61 = arith.constant 0 : i32
      %dma_start3A_62 = tpu.memref_slice %arg14[%dma_start3A_61] : memref<15360xf32, #tpu.memory_space<vmem>> -> memref<2560xf32, #tpu.memory_space<vmem>>
      %dma_start3A_63 = tpu.memref_slice %arg7[%run_scoped3A, %mul3A_44] : memref<6x81920xf32, #tpu.memory_space<hbm>> -> memref<1x2560xf32, #tpu.memory_space<hbm>>
      %dma_start3A_64 = tpu.memref_squeeze %dma_start3A_63 : memref<1x2560xf32, #tpu.memory_space<hbm>> -> memref<2560xf32, #tpu.memory_space<hbm>>
      %dma_start3A_65 = tpu.memref_slice %arg7[%run_scoped3A, %mul3A_44] : memref<6x81920xf32, #tpu.memory_space<hbm>> -> memref<1x2560xf32, #tpu.memory_space<hbm>>
      %dma_start3A_66 = tpu.memref_squeeze %dma_start3A_65 : memref<1x2560xf32, #tpu.memory_space<hbm>> -> memref<2560xf32, #tpu.memory_space<hbm>>
      %dma_start3A_67 = arith.constant 0 : i32
      %dma_start3A_68 = tpu.memref_slice %arg14[%dma_start3A_67] : memref<15360xf32, #tpu.memory_space<vmem>> -> memref<2560xf32, #tpu.memory_space<vmem>>
      tpu.enqueue_dma source(%dma_start3A_68 : memref<2560xf32, #tpu.memory_space<vmem>>) target(%dma_start3A_66 : memref<2560xf32, #tpu.memory_space<hbm>>) target_semaphore(%run_scoped3A_60 : memref<!tpu.dma_semaphore, #tpu.memory_space<semaphore_mem>>)
      %dma_wait3A = arith.constant 0 : i32
      %dma_wait3A_69 = tpu.memref_slice %arg14[%dma_wait3A] : memref<15360xf32, #tpu.memory_space<vmem>> -> memref<2560xf32, #tpu.memory_space<vmem>>
      %dma_wait3A_70 = tpu.memref_slice %arg7[%run_scoped3A, %mul3A_44] : memref<6x81920xf32, #tpu.memory_space<hbm>> -> memref<1x2560xf32, #tpu.memory_space<hbm>>
      %dma_wait3A_71 = tpu.memref_squeeze %dma_wait3A_70 : memref<1x2560xf32, #tpu.memory_space<hbm>> -> memref<2560xf32, #tpu.memory_space<hbm>>
      %dma_wait3A_72 = tpu.memref_slice %arg7[%run_scoped3A, %mul3A_44] : memref<6x81920xf32, #tpu.memory_space<hbm>> -> memref<1x2560xf32, #tpu.memory_space<hbm>>
      %dma_wait3A_73 = tpu.memref_squeeze %dma_wait3A_72 : memref<1x2560xf32, #tpu.memory_space<hbm>> -> memref<2560xf32, #tpu.memory_space<hbm>>
      %dma_wait3A_74 = arith.constant 0 : i32
      %dma_wait3A_75 = tpu.memref_slice %arg14[%dma_wait3A_74] : memref<15360xf32, #tpu.memory_space<vmem>> -> memref<2560xf32, #tpu.memory_space<vmem>>
      tpu.wait_dma2 semaphore(%run_scoped3A_60 : memref<!tpu.dma_semaphore, #tpu.memory_space<semaphore_mem>>) src(%dma_wait3A_75 : memref<2560xf32, #tpu.memory_space<vmem>>) dst(%dma_wait3A_73 : memref<2560xf32, #tpu.memory_space<hbm>>)
      tpu.yield
    }) : () -> ()
    %mul3A_45 = arith.constant 2560 : i32
    %mul3A_46 = arith.muli %add3A, %mul3A_45 : i32
    %run_scoped3A_47 = arith.constant 1 : i32
    "tpu.region"() ({
      %run_scoped3A_60 = tpu.sem_alloc : memref<!tpu.dma_semaphore, #tpu.memory_space<semaphore_mem>>
      %dma_start3A_61 = arith.constant 2560 : i32
      %dma_start3A_62 = tpu.memref_slice %arg14[%dma_start3A_61] : memref<15360xf32, #tpu.memory_space<vmem>> -> memref<2560xf32, #tpu.memory_space<vmem>>
      %dma_start3A_63 = tpu.memref_slice %arg7[%run_scoped3A_47, %mul3A_46] : memref<6x81920xf32, #tpu.memory_space<hbm>> -> memref<1x2560xf32, #tpu.memory_space<hbm>>
      %dma_start3A_64 = tpu.memref_squeeze %dma_start3A_63 : memref<1x2560xf32, #tpu.memory_space<hbm>> -> memref<2560xf32, #tpu.memory_space<hbm>>
      %dma_start3A_65 = tpu.memref_slice %arg7[%run_scoped3A_47, %mul3A_46] : memref<6x81920xf32, #tpu.memory_space<hbm>> -> memref<1x2560xf32, #tpu.memory_space<hbm>>
      %dma_start3A_66 = tpu.memref_squeeze %dma_start3A_65 : memref<1x2560xf32, #tpu.memory_space<hbm>> -> memref<2560xf32, #tpu.memory_space<hbm>>
      %dma_start3A_67 = arith.constant 2560 : i32
      %dma_start3A_68 = tpu.memref_slice %arg14[%dma_start3A_67] : memref<15360xf32, #tpu.memory_space<vmem>> -> memref<2560xf32, #tpu.memory_space<vmem>>
      tpu.enqueue_dma source(%dma_start3A_68 : memref<2560xf32, #tpu.memory_space<vmem>>) target(%dma_start3A_66 : memref<2560xf32, #tpu.memory_space<hbm>>) target_semaphore(%run_scoped3A_60 : memref<!tpu.dma_semaphore, #tpu.memory_space<semaphore_mem>>)
      %dma_wait3A = arith.constant 2560 : i32
      %dma_wait3A_69 = tpu.memref_slice %arg14[%dma_wait3A] : memref<15360xf32, #tpu.memory_space<vmem>> -> memref<2560xf32, #tpu.memory_space<vmem>>
      %dma_wait3A_70 = tpu.memref_slice %arg7[%run_scoped3A_47, %mul3A_46] : memref<6x81920xf32, #tpu.memory_space<hbm>> -> memref<1x2560xf32, #tpu.memory_space<hbm>>
      %dma_wait3A_71 = tpu.memref_squeeze %dma_wait3A_70 : memref<1x2560xf32, #tpu.memory_space<hbm>> -> memref<2560xf32, #tpu.memory_space<hbm>>
      %dma_wait3A_72 = tpu.memref_slice %arg7[%run_scoped3A_47, %mul3A_46] : memref<6x81920xf32, #tpu.memory_space<hbm>> -> memref<1x2560xf32, #tpu.memory_space<hbm>>
      %dma_wait3A_73 = tpu.memref_squeeze %dma_wait3A_72 : memref<1x2560xf32, #tpu.memory_space<hbm>> -> memref<2560xf32, #tpu.memory_space<hbm>>
      %dma_wait3A_74 = arith.constant 2560 : i32
      %dma_wait3A_75 = tpu.memref_slice %arg14[%dma_wait3A_74] : memref<15360xf32, #tpu.memory_space<vmem>> -> memref<2560xf32, #tpu.memory_space<vmem>>
      tpu.wait_dma2 semaphore(%run_scoped3A_60 : memref<!tpu.dma_semaphore, #tpu.memory_space<semaphore_mem>>) src(%dma_wait3A_75 : memref<2560xf32, #tpu.memory_space<vmem>>) dst(%dma_wait3A_73 : memref<2560xf32, #tpu.memory_space<hbm>>)
      tpu.yield
    }) : () -> ()
    %mul3A_48 = arith.constant 2560 : i32
    %mul3A_49 = arith.muli %add3A, %mul3A_48 : i32
    %run_scoped3A_50 = arith.constant 2 : i32
    "tpu.region"() ({
      %run_scoped3A_60 = tpu.sem_alloc : memref<!tpu.dma_semaphore, #tpu.memory_space<semaphore_mem>>
      %dma_start3A_61 = arith.constant 5120 : i32
      %dma_start3A_62 = tpu.memref_slice %arg14[%dma_start3A_61] : memref<15360xf32, #tpu.memory_space<vmem>> -> memref<2560xf32, #tpu.memory_space<vmem>>
      %dma_start3A_63 = tpu.memref_slice %arg7[%run_scoped3A_50, %mul3A_49] : memref<6x81920xf32, #tpu.memory_space<hbm>> -> memref<1x2560xf32, #tpu.memory_space<hbm>>
      %dma_start3A_64 = tpu.memref_squeeze %dma_start3A_63 : memref<1x2560xf32, #tpu.memory_space<hbm>> -> memref<2560xf32, #tpu.memory_space<hbm>>
      %dma_start3A_65 = tpu.memref_slice %arg7[%run_scoped3A_50, %mul3A_49] : memref<6x81920xf32, #tpu.memory_space<hbm>> -> memref<1x2560xf32, #tpu.memory_space<hbm>>
      %dma_start3A_66 = tpu.memref_squeeze %dma_start3A_65 : memref<1x2560xf32, #tpu.memory_space<hbm>> -> memref<2560xf32, #tpu.memory_space<hbm>>
      %dma_start3A_67 = arith.constant 5120 : i32
      %dma_start3A_68 = tpu.memref_slice %arg14[%dma_start3A_67] : memref<15360xf32, #tpu.memory_space<vmem>> -> memref<2560xf32, #tpu.memory_space<vmem>>
      tpu.enqueue_dma source(%dma_start3A_68 : memref<2560xf32, #tpu.memory_space<vmem>>) target(%dma_start3A_66 : memref<2560xf32, #tpu.memory_space<hbm>>) target_semaphore(%run_scoped3A_60 : memref<!tpu.dma_semaphore, #tpu.memory_space<semaphore_mem>>)
      %dma_wait3A = arith.constant 5120 : i32
      %dma_wait3A_69 = tpu.memref_slice %arg14[%dma_wait3A] : memref<15360xf32, #tpu.memory_space<vmem>> -> memref<2560xf32, #tpu.memory_space<vmem>>
      %dma_wait3A_70 = tpu.memref_slice %arg7[%run_scoped3A_50, %mul3A_49] : memref<6x81920xf32, #tpu.memory_space<hbm>> -> memref<1x2560xf32, #tpu.memory_space<hbm>>
      %dma_wait3A_71 = tpu.memref_squeeze %dma_wait3A_70 : memref<1x2560xf32, #tpu.memory_space<hbm>> -> memref<2560xf32, #tpu.memory_space<hbm>>
      %dma_wait3A_72 = tpu.memref_slice %arg7[%run_scoped3A_50, %mul3A_49] : memref<6x81920xf32, #tpu.memory_space<hbm>> -> memref<1x2560xf32, #tpu.memory_space<hbm>>
      %dma_wait3A_73 = tpu.memref_squeeze %dma_wait3A_72 : memref<1x2560xf32, #tpu.memory_space<hbm>> -> memref<2560xf32, #tpu.memory_space<hbm>>
      %dma_wait3A_74 = arith.constant 5120 : i32
      %dma_wait3A_75 = tpu.memref_slice %arg14[%dma_wait3A_74] : memref<15360xf32, #tpu.memory_space<vmem>> -> memref<2560xf32, #tpu.memory_space<vmem>>
      tpu.wait_dma2 semaphore(%run_scoped3A_60 : memref<!tpu.dma_semaphore, #tpu.memory_space<semaphore_mem>>) src(%dma_wait3A_75 : memref<2560xf32, #tpu.memory_space<vmem>>) dst(%dma_wait3A_73 : memref<2560xf32, #tpu.memory_space<hbm>>)
      tpu.yield
    }) : () -> ()
    %mul3A_51 = arith.constant 2560 : i32
    %mul3A_52 = arith.muli %add3A, %mul3A_51 : i32
    %run_scoped3A_53 = arith.constant 3 : i32
    "tpu.region"() ({
      %run_scoped3A_60 = tpu.sem_alloc : memref<!tpu.dma_semaphore, #tpu.memory_space<semaphore_mem>>
      %dma_start3A_61 = arith.constant 7680 : i32
      %dma_start3A_62 = tpu.memref_slice %arg14[%dma_start3A_61] : memref<15360xf32, #tpu.memory_space<vmem>> -> memref<2560xf32, #tpu.memory_space<vmem>>
      %dma_start3A_63 = tpu.memref_slice %arg7[%run_scoped3A_53, %mul3A_52] : memref<6x81920xf32, #tpu.memory_space<hbm>> -> memref<1x2560xf32, #tpu.memory_space<hbm>>
      %dma_start3A_64 = tpu.memref_squeeze %dma_start3A_63 : memref<1x2560xf32, #tpu.memory_space<hbm>> -> memref<2560xf32, #tpu.memory_space<hbm>>
      %dma_start3A_65 = tpu.memref_slice %arg7[%run_scoped3A_53, %mul3A_52] : memref<6x81920xf32, #tpu.memory_space<hbm>> -> memref<1x2560xf32, #tpu.memory_space<hbm>>
      %dma_start3A_66 = tpu.memref_squeeze %dma_start3A_65 : memref<1x2560xf32, #tpu.memory_space<hbm>> -> memref<2560xf32, #tpu.memory_space<hbm>>
      %dma_start3A_67 = arith.constant 7680 : i32
      %dma_start3A_68 = tpu.memref_slice %arg14[%dma_start3A_67] : memref<15360xf32, #tpu.memory_space<vmem>> -> memref<2560xf32, #tpu.memory_space<vmem>>
      tpu.enqueue_dma source(%dma_start3A_68 : memref<2560xf32, #tpu.memory_space<vmem>>) target(%dma_start3A_66 : memref<2560xf32, #tpu.memory_space<hbm>>) target_semaphore(%run_scoped3A_60 : memref<!tpu.dma_semaphore, #tpu.memory_space<semaphore_mem>>)
      %dma_wait3A = arith.constant 7680 : i32
      %dma_wait3A_69 = tpu.memref_slice %arg14[%dma_wait3A] : memref<15360xf32, #tpu.memory_space<vmem>> -> memref<2560xf32, #tpu.memory_space<vmem>>
      %dma_wait3A_70 = tpu.memref_slice %arg7[%run_scoped3A_53, %mul3A_52] : memref<6x81920xf32, #tpu.memory_space<hbm>> -> memref<1x2560xf32, #tpu.memory_space<hbm>>
      %dma_wait3A_71 = tpu.memref_squeeze %dma_wait3A_70 : memref<1x2560xf32, #tpu.memory_space<hbm>> -> memref<2560xf32, #tpu.memory_space<hbm>>
      %dma_wait3A_72 = tpu.memref_slice %arg7[%run_scoped3A_53, %mul3A_52] : memref<6x81920xf32, #tpu.memory_space<hbm>> -> memref<1x2560xf32, #tpu.memory_space<hbm>>
      %dma_wait3A_73 = tpu.memref_squeeze %dma_wait3A_72 : memref<1x2560xf32, #tpu.memory_space<hbm>> -> memref<2560xf32, #tpu.memory_space<hbm>>
      %dma_wait3A_74 = arith.constant 7680 : i32
      %dma_wait3A_75 = tpu.memref_slice %arg14[%dma_wait3A_74] : memref<15360xf32, #tpu.memory_space<vmem>> -> memref<2560xf32, #tpu.memory_space<vmem>>
      tpu.wait_dma2 semaphore(%run_scoped3A_60 : memref<!tpu.dma_semaphore, #tpu.memory_space<semaphore_mem>>) src(%dma_wait3A_75 : memref<2560xf32, #tpu.memory_space<vmem>>) dst(%dma_wait3A_73 : memref<2560xf32, #tpu.memory_space<hbm>>)
      tpu.yield
    }) : () -> ()
    %mul3A_54 = arith.constant 2560 : i32
    %mul3A_55 = arith.muli %add3A, %mul3A_54 : i32
    %run_scoped3A_56 = arith.constant 4 : i32
    "tpu.region"() ({
      %run_scoped3A_60 = tpu.sem_alloc : memref<!tpu.dma_semaphore, #tpu.memory_space<semaphore_mem>>
      %dma_start3A_61 = arith.constant 10240 : i32
      %dma_start3A_62 = tpu.memref_slice %arg14[%dma_start3A_61] : memref<15360xf32, #tpu.memory_space<vmem>> -> memref<2560xf32, #tpu.memory_space<vmem>>
      %dma_start3A_63 = tpu.memref_slice %arg7[%run_scoped3A_56, %mul3A_55] : memref<6x81920xf32, #tpu.memory_space<hbm>> -> memref<1x2560xf32, #tpu.memory_space<hbm>>
      %dma_start3A_64 = tpu.memref_squeeze %dma_start3A_63 : memref<1x2560xf32, #tpu.memory_space<hbm>> -> memref<2560xf32, #tpu.memory_space<hbm>>
      %dma_start3A_65 = tpu.memref_slice %arg7[%run_scoped3A_56, %mul3A_55] : memref<6x81920xf32, #tpu.memory_space<hbm>> -> memref<1x2560xf32, #tpu.memory_space<hbm>>
      %dma_start3A_66 = tpu.memref_squeeze %dma_start3A_65 : memref<1x2560xf32, #tpu.memory_space<hbm>> -> memref<2560xf32, #tpu.memory_space<hbm>>
      %dma_start3A_67 = arith.constant 10240 : i32
      %dma_start3A_68 = tpu.memref_slice %arg14[%dma_start3A_67] : memref<15360xf32, #tpu.memory_space<vmem>> -> memref<2560xf32, #tpu.memory_space<vmem>>
      tpu.enqueue_dma source(%dma_start3A_68 : memref<2560xf32, #tpu.memory_space<vmem>>) target(%dma_start3A_66 : memref<2560xf32, #tpu.memory_space<hbm>>) target_semaphore(%run_scoped3A_60 : memref<!tpu.dma_semaphore, #tpu.memory_space<semaphore_mem>>)
      %dma_wait3A = arith.constant 10240 : i32
      %dma_wait3A_69 = tpu.memref_slice %arg14[%dma_wait3A] : memref<15360xf32, #tpu.memory_space<vmem>> -> memref<2560xf32, #tpu.memory_space<vmem>>
      %dma_wait3A_70 = tpu.memref_slice %arg7[%run_scoped3A_56, %mul3A_55] : memref<6x81920xf32, #tpu.memory_space<hbm>> -> memref<1x2560xf32, #tpu.memory_space<hbm>>
      %dma_wait3A_71 = tpu.memref_squeeze %dma_wait3A_70 : memref<1x2560xf32, #tpu.memory_space<hbm>> -> memref<2560xf32, #tpu.memory_space<hbm>>
      %dma_wait3A_72 = tpu.memref_slice %arg7[%run_scoped3A_56, %mul3A_55] : memref<6x81920xf32, #tpu.memory_space<hbm>> -> memref<1x2560xf32, #tpu.memory_space<hbm>>
      %dma_wait3A_73 = tpu.memref_squeeze %dma_wait3A_72 : memref<1x2560xf32, #tpu.memory_space<hbm>> -> memref<2560xf32, #tpu.memory_space<hbm>>
      %dma_wait3A_74 = arith.constant 10240 : i32
      %dma_wait3A_75 = tpu.memref_slice %arg14[%dma_wait3A_74] : memref<15360xf32, #tpu.memory_space<vmem>> -> memref<2560xf32, #tpu.memory_space<vmem>>
      tpu.wait_dma2 semaphore(%run_scoped3A_60 : memref<!tpu.dma_semaphore, #tpu.memory_space<semaphore_mem>>) src(%dma_wait3A_75 : memref<2560xf32, #tpu.memory_space<vmem>>) dst(%dma_wait3A_73 : memref<2560xf32, #tpu.memory_space<hbm>>)
      tpu.yield
    }) : () -> ()
    %mul3A_57 = arith.constant 2560 : i32
    %mul3A_58 = arith.muli %add3A, %mul3A_57 : i32
    %run_scoped3A_59 = arith.constant 5 : i32
    "tpu.region"() ({
      %run_scoped3A_60 = tpu.sem_alloc : memref<!tpu.dma_semaphore, #tpu.memory_space<semaphore_mem>>
      %dma_start3A_61 = arith.constant 12800 : i32
      %dma_start3A_62 = tpu.memref_slice %arg14[%dma_start3A_61] : memref<15360xf32, #tpu.memory_space<vmem>> -> memref<2560xf32, #tpu.memory_space<vmem>>
      %dma_start3A_63 = tpu.memref_slice %arg7[%run_scoped3A_59, %mul3A_58] : memref<6x81920xf32, #tpu.memory_space<hbm>> -> memref<1x2560xf32, #tpu.memory_space<hbm>>
      %dma_start3A_64 = tpu.memref_squeeze %dma_start3A_63 : memref<1x2560xf32, #tpu.memory_space<hbm>> -> memref<2560xf32, #tpu.memory_space<hbm>>
      %dma_start3A_65 = tpu.memref_slice %arg7[%run_scoped3A_59, %mul3A_58] : memref<6x81920xf32, #tpu.memory_space<hbm>> -> memref<1x2560xf32, #tpu.memory_space<hbm>>
      %dma_start3A_66 = tpu.memref_squeeze %dma_start3A_65 : memref<1x2560xf32, #tpu.memory_space<hbm>> -> memref<2560xf32, #tpu.memory_space<hbm>>
      %dma_start3A_67 = arith.constant 12800 : i32
      %dma_start3A_68 = tpu.memref_slice %arg14[%dma_start3A_67] : memref<15360xf32, #tpu.memory_space<vmem>> -> memref<2560xf32, #tpu.memory_space<vmem>>
      tpu.enqueue_dma source(%dma_start3A_68 : memref<2560xf32, #tpu.memory_space<vmem>>) target(%dma_start3A_66 : memref<2560xf32, #tpu.memory_space<hbm>>) target_semaphore(%run_scoped3A_60 : memref<!tpu.dma_semaphore, #tpu.memory_space<semaphore_mem>>)
      %dma_wait3A = arith.constant 12800 : i32
      %dma_wait3A_69 = tpu.memref_slice %arg14[%dma_wait3A] : memref<15360xf32, #tpu.memory_space<vmem>> -> memref<2560xf32, #tpu.memory_space<vmem>>
      %dma_wait3A_70 = tpu.memref_slice %arg7[%run_scoped3A_59, %mul3A_58] : memref<6x81920xf32, #tpu.memory_space<hbm>> -> memref<1x2560xf32, #tpu.memory_space<hbm>>
      %dma_wait3A_71 = tpu.memref_squeeze %dma_wait3A_70 : memref<1x2560xf32, #tpu.memory_space<hbm>> -> memref<2560xf32, #tpu.memory_space<hbm>>
      %dma_wait3A_72 = tpu.memref_slice %arg7[%run_scoped3A_59, %mul3A_58] : memref<6x81920xf32, #tpu.memory_space<hbm>> -> memref<1x2560xf32, #tpu.memory_space<hbm>>
      %dma_wait3A_73 = tpu.memref_squeeze %dma_wait3A_72 : memref<1x2560xf32, #tpu.memory_space<hbm>> -> memref<2560xf32, #tpu.memory_space<hbm>>
      %dma_wait3A_74 = arith.constant 12800 : i32
      %dma_wait3A_75 = tpu.memref_slice %arg14[%dma_wait3A_74] : memref<15360xf32, #tpu.memory_space<vmem>> -> memref<2560xf32, #tpu.memory_space<vmem>>
      tpu.wait_dma2 semaphore(%run_scoped3A_60 : memref<!tpu.dma_semaphore, #tpu.memory_space<semaphore_mem>>) src(%dma_wait3A_75 : memref<2560xf32, #tpu.memory_space<vmem>>) dst(%dma_wait3A_73 : memref<2560xf32, #tpu.memory_space<hbm>>)
      tpu.yield
    }) : () -> ()
    return
  }
}

module attributes {stable_mosaic.version = 14 : i64} {
  func.func @body(%arg0: memref<6x81920xf32, #tpu.memory_space<vmem>>, %arg1: memref<1x1xf32, #tpu.memory_space<smem>>) attributes {dimension_semantics = [], scalar_prefetch = 0 : i64, scratch_operands = 0 : i64, tpu.core_type = #tpu.core_type<tc>} {
    %get3A = arith.constant 0 : index
    %get3A_0 = arith.constant 0 : index
    %get3A_1 = vector.load %arg0[%get3A, %get3A_0] : memref<6x81920xf32, #tpu.memory_space<vmem>>, vector<6x81920xf32>
    %slice3A = vector.extract_strided_slice %get3A_1 {offsets = [0, 0], sizes = [1, 81920], strides = [1, 1]} : vector<6x81920xf32> to vector<1x81920xf32>
    %slice3A_2 = vector.extract_strided_slice %get3A_1 {offsets = [1, 0], sizes = [5, 81920], strides = [1, 1]} : vector<6x81920xf32> to vector<5x81920xf32>
    %min3A = arith.constant 0.000000e+00 : f32
    %min3A_3 = vector.broadcast %min3A : f32 to vector<1x81920xf32>
    %min3A_4 = arith.minimumf %slice3A, %min3A_3 : vector<1x81920xf32>
    %abs3A = math.absf %slice3A : vector<1x81920xf32>
    %neg3A = arith.constant 0.000000e+00 : f32
    %neg3A_5 = vector.broadcast %neg3A : f32 to vector<1x81920xf32>
    %neg3A_6 = arith.subf %neg3A_5, %abs3A : vector<1x81920xf32>
    %exp3A = math.exp %neg3A_6 : vector<1x81920xf32>
    %add3A = arith.constant 1.000000e+00 : f32
    %add3A_7 = vector.broadcast %add3A : f32 to vector<1x81920xf32>
    %add3A_8 = arith.addf %add3A_7, %exp3A : vector<1x81920xf32>
    %log3A = math.log %add3A_8 : vector<1x81920xf32>
    %sub3A = arith.subf %min3A_4, %log3A : vector<1x81920xf32>
    %reduce_sum3A = vector.shape_cast %sub3A : vector<1x81920xf32> to vector<1x1x81920xf32>
    %reduce_sum3A_9 = arith.constant dense<0.000000e+00> : vector<1xf32>
    %reduce_sum3A_10 = vector.multi_reduction <add>, %reduce_sum3A, %reduce_sum3A_9 [1, 2] : vector<1x1x81920xf32> to vector<1xf32>
    %reduce_sum3A_11 = vector.shape_cast %reduce_sum3A_10 : vector<1xf32> to vector<1x1x1xf32>
    %reduce_sum3A_12 = vector.extract %reduce_sum3A_11[0, 0, 0] : f32 from vector<1x1x1xf32>
    %neg3A_13 = arith.constant 0.000000e+00 : f32
    %neg3A_14 = vector.broadcast %neg3A_13 : f32 to vector<5x81920xf32>
    %neg3A_15 = arith.subf %neg3A_14, %slice3A_2 : vector<5x81920xf32>
    %min3A_16 = arith.constant 0.000000e+00 : f32
    %min3A_17 = vector.broadcast %min3A_16 : f32 to vector<5x81920xf32>
    %min3A_18 = arith.minimumf %neg3A_15, %min3A_17 : vector<5x81920xf32>
    %abs3A_19 = math.absf %neg3A_15 : vector<5x81920xf32>
    %neg3A_20 = arith.constant 0.000000e+00 : f32
    %neg3A_21 = vector.broadcast %neg3A_20 : f32 to vector<5x81920xf32>
    %neg3A_22 = arith.subf %neg3A_21, %abs3A_19 : vector<5x81920xf32>
    %exp3A_23 = math.exp %neg3A_22 : vector<5x81920xf32>
    %add3A_24 = arith.constant 1.000000e+00 : f32
    %add3A_25 = vector.broadcast %add3A_24 : f32 to vector<5x81920xf32>
    %add3A_26 = arith.addf %add3A_25, %exp3A_23 : vector<5x81920xf32>
    %log3A_27 = math.log %add3A_26 : vector<5x81920xf32>
    %sub3A_28 = arith.subf %min3A_18, %log3A_27 : vector<5x81920xf32>
    %reduce_sum3A_29 = vector.shape_cast %sub3A_28 : vector<5x81920xf32> to vector<1x5x81920xf32>
    %reduce_sum3A_30 = arith.constant dense<0.000000e+00> : vector<1xf32>
    %reduce_sum3A_31 = vector.multi_reduction <add>, %reduce_sum3A_29, %reduce_sum3A_30 [1, 2] : vector<1x5x81920xf32> to vector<1xf32>
    %reduce_sum3A_32 = vector.shape_cast %reduce_sum3A_31 : vector<1xf32> to vector<1x1x1xf32>
    %reduce_sum3A_33 = vector.extract %reduce_sum3A_32[0, 0, 0] : f32 from vector<1x1x1xf32>
    %add3A_34 = arith.addf %reduce_sum3A_12, %reduce_sum3A_33 : f32
    %neg3A_35 = arith.constant 0.000000e+00 : f32
    %neg3A_36 = arith.subf %neg3A_35, %add3A_34 : f32
    %div3A = arith.constant 1.638400e+04 : f32
    %div3A_37 = arith.divf %neg3A_36, %div3A : f32
    %swap3A = arith.constant 0 : index
    %swap3A_38 = arith.constant 0 : index
    %swap3A_39 = memref.load %arg1[%swap3A, %swap3A_38] : memref<1x1xf32, #tpu.memory_space<smem>>
    memref.store %div3A_37, %arg1[%swap3A, %swap3A_38] : memref<1x1xf32, #tpu.memory_space<smem>>
    return
  }
}

</mosaic_0001>

<sc_bundles>
// kernel: kernel.4.cloned.1.call-start
scs
__scs_entry_jumppad:
0x0: {  	(pc) =	sbr.rel $0x88, $3  }
0x1: {  	(tag) =	ssettag $0x0;
	lr =	simm.s32 $0x1  }
0x2: {  	[smem:$0x3F9C] =	sst lr;
	_ =	strace $0xD0000000  }
0x3: {  	_ = 	snop  }
0x4: {  	_ = 	snop  }
0x5: {  	_ = 	snop  }
0x6: {  	_ = 	snop  }
0x7: {  	_ = 	snop  }
__scs_overlays_trampoline_lowered:
0x8: {  	[smem:$0x3FAB] =	sst s0  }
0x9: {  	[smem:$0x3FAC] =	sst s1  }
0xa: {  	[smem:$0x3FAD] =	sst s2  }
0xb: {  	[smem:$0x3FAE] =	sst s3  }
0xc: {  	[smem:$0x3FAF] =	sst s4  }
0xd: {  	[smem:$0x3FB0] =	sst s5  }
0xe: {  	[smem:$0x3FB1] =	sst s6  }
0xf: {  	[smem:$0x3FB2] =	sst s7  }
0x10: {  	[smem:$0x3FB3] =	sst s8  }
0x11: {  	[smem:$0x3FB4] =	sst s9;
	s0 =	simm.s32 @!p0 $0x0  }
0x12: {  	s1 =	sld [smem:$0x3F9A];
	s0 =	simm.s32 @p0 $0x1  }
0x13: {  	[smem:$0x3FB5] =	sst s0;
	s0 =	simm.s32 @!p1 $0x0  }
0x14: {  	s2 =	sld [smem:$0x3F99];
	s0 =	simm.s32 @p1 $0x1  }
0x15: {  	[smem:$0x3FB6] =	sst s0;
	s0 =	simm.s32 @!p2 $0x0  }
0x16: {  	s3 =	sld [smem:$0x3FDB];
	s0 =	simm.s32 @p2 $0x1  }
0x17: {  	s4 =	simm.s32 $0x1BF5;
	[smem:$0x3FB8] =	sst s0  }
0x18: {  	s0 =	sld [smem:$0x3F9B];
	_ =	swait.ge [sflag:s4], $0x0  }
0x19: {  	s7 =	sld [smem:$0x3F9C]  }
0x1a: {  	s8 =	sadd.s32 $0xFFFFE003, lr  }
0x1b: {  	s9 =	sadd.s32 $0xFFFFFEF7, lr;
	s5 =	simm.s32 $0xFFFFFFFF;
	p2 =	slt.u32 s8, $0xFFFFF086  }
0x1c: {  	p1 =	slt.u32 s9, $0xF7A;
	s5 =	simm.s32 @!p2 $0x0  }
0x1d: {  	s5 =	simm.s32 @p1 $0x1;
	p0 =	seq.s32 s7, s2  }
0x1e: {  	s7 =	smul.u32 @!p0 $0xF7A, s2;
	p2 =	seq.s32 @!p0 s5, $0x0  }
0x1f: {  	s9 =	smul.u32 $0xF7A, s1;
	s8 =	simm.s32 @!p0 $0x1BF5;
	p2 =	por !p2, p0  }
0x20: {  	[sflag:s8] =	ssyncset.s32 @!p0 $0xFFFFF086;
	s6 =	sadd.s32 @!p0 s3, s7;
	s7 =	simm.s32 @!p0 $0x108  }
0x21: {  	s3 =	sadd.s32 s3, s9;
	s6 =	sadd.s32 @!p0 $0x88, s6;
	s7 =	simm.s32 @p2 $0x1082  }
0x22: {  	[simem:s7], [sflag:s8] =	dma.local @!p0 [hbm:s6], $0xF7A  }
0x23: {  	s9 =	sor.u32 $0xD0000000, s2;
	s6 =	simm.s32 $0x108;
	_ =	swait.ge @!p0 [sflag:s8], $0x0  }
0x24: {  	s3 =	sadd.s32 $0x88, s3;
	s6 =	simm.s32 @!p1 $0x1082;
	[sflag:s4] =	ssyncset.s32 $0xFFFFF086  }
0x25: {  	[simem:s6], [sflag:s4] =	dma.local [hbm:s3], $0xF7A  }
0x26: {  	[smem:$0x3F9C] =	sst s1;
	(tag) =	ssettag s2;
	_ =	strace s9  }
0x27: {  	s1 =	sld [smem:$0x3FAC]  }
0x28: {  	s2 =	sld [smem:$0x3FAD]  }
0x29: {  	s4 =	sld [smem:$0x3FAF]  }
0x2a: {  	p0 =	seq.s32 s5, $0x0;
	s5 =	sld [smem:$0x3FB0]  }
0x2b: {  	s6 =	sld [smem:$0x3FB1]  }
0x2c: {  	s7 =	sld [smem:$0x3FB2]  }
0x2d: {  	s3 =	simm.s32 $0x108;
	s8 =	sld [smem:$0x3FB3]  }
0x2e: {  	s3 =	simm.s32 @!p0 $0x1082;
	s9 =	sld [smem:$0x3FB4]  }
0x2f: {  	lr =	sadd.s32 s0, s3;
	s0 =	sld [smem:$0x3FAB]  }
0x30: {  	s3 =	sld [smem:$0x3FAE]  }
0x31: {  	[smem:$0x3FB7] =	sst s10  }
0x32: {  	s10 =	sld [smem:$0x3FB5];
	_ =	sdelay $0x3  }
0x33: {  	p0 =	seq.s32 s10, $0x1;
	s10 =	sld [smem:$0x3FB7];
	_ =	sdelay $0x3  }
0x34: {  	[smem:$0x3FB7] =	sst s10  }
0x35: {  	s10 =	sld [smem:$0x3FB6];
	_ =	sdelay $0x3  }
0x36: {  	p1 =	seq.s32 s10, $0x1;
	s10 =	sld [smem:$0x3FB7];
	_ =	sdelay $0x3  }
0x37: {  	[smem:$0x3FB7] =	sst s10  }
0x38: {  	s10 =	sld [smem:$0x3FB8]  }
0x39: {  	_ = 	snop;
	(pc) =	sbr.ind lr, $3  }
0x3a: {  	_ = 	snop  }
0x3b: {  	_ = 	snop  }
0x3c: {  	p2 =	seq.s32 s10, $0x1;
	s10 =	sld [smem:$0x3FB7]  }
0x3d: {  	_ =	shalt  }
0x3e: {  	_ =	shalt  }
0x3f: {  	_ =	shalt  }
0x40: {  	_ =	shalt  }
0x41: {  	_ =	shalt  }
0x42: {  	_ =	shalt  }
0x43: {  	_ =	shalt  }
0x44: {  	_ =	shalt  }
0x45: {  	_ =	shalt  }
0x46: {  	_ =	shalt  }
0x47: {  	_ =	shalt  }
0x48: {  	_ =	shalt  }
0x49: {  	_ =	shalt  }
0x4a: {  	_ =	shalt  }
0x4b: {  	_ =	shalt  }
0x4c: {  	_ =	shalt  }
0x4d: {  	_ =	shalt  }
0x4e: {  	_ =	shalt  }
0x4f: {  	_ =	shalt  }
0x50: {  	_ =	shalt  }
0x51: {  	_ =	shalt  }
0x52: {  	_ =	shalt  }
0x53: {  	_ =	shalt  }
0x54: {  	_ =	shalt  }
0x55: {  	_ =	shalt  }
0x56: {  	_ =	shalt  }
0x57: {  	_ =	shalt  }
0x58: {  	_ =	shalt  }
0x59: {  	_ =	shalt  }
0x5a: {  	_ =	shalt  }
0x5b: {  	_ =	shalt  }
0x5c: {  	_ =	shalt  }
0x5d: {  	_ =	shalt  }
0x5e: {  	_ =	shalt  }
0x5f: {  	_ =	shalt  }
0x60: {  	_ =	shalt  }
0x61: {  	_ =	shalt  }
0x62: {  	_ =	shalt  }
0x63: {  	_ =	shalt  }
0x64: {  	_ =	shalt  }
0x65: {  	_ =	shalt  }
0x66: {  	_ =	shalt  }
0x67: {  	_ =	shalt  }
0x68: {  	_ =	shalt  }
0x69: {  	_ =	shalt  }
0x6a: {  	_ =	shalt  }
0x6b: {  	_ =	shalt  }
0x6c: {  	_ =	shalt  }
0x6d: {  	_ =	shalt  }
0x6e: {  	_ =	shalt  }
0x6f: {  	_ =	shalt  }
0x70: {  	_ =	shalt  }
0x71: {  	_ =	shalt  }
0x72: {  	_ =	shalt  }
0x73: {  	_ =	shalt  }
0x74: {  	_ =	shalt  }
0x75: {  	_ =	shalt  }
0x76: {  	_ =	shalt  }
0x77: {  	_ =	shalt  }
0x78: {  	_ =	shalt  }
0x79: {  	_ =	shalt  }
0x7a: {  	_ =	shalt  }
0x7b: {  	_ =	shalt  }
0x7c: {  	_ =	shalt  }
0x7d: {  	_ =	shalt  }
0x7e: {  	_ =	shalt  }
0x7f: {  	_ =	shalt  }
0x80: {  	_ =	shalt  }
0x81: {  	_ =	shalt  }
0x82: {  	_ =	shalt  }
0x83: {  	_ =	shalt  }
0x84: {  	_ =	shalt  }
0x85: {  	_ =	shalt  }
0x86: {  	_ =	shalt  }
0x87: {  	_ =	shalt  }
.Lfunc_end0:
.L_simem_size_0:
called_computation_lowered:
.L_overlay_start_0:
0x88: {  	s2 =	sld [smem:$0x3FD9]  }
0x89: {  	s3 =	sld [smem:$0x3FFE];
	_ =	sdelay $0x1  }
0x8a: {  	s1 =	srdreg.scid  }
0x8b: {  	s0 =	sand.u32 $0x1, s1  }
0x8c: {  	s16 =	sshll.u32 s0, $0xA;
	s2 =	sadd.s32 s3, s2  }
0x8d: {  	s2 =	sadd.s32 s2, s16  }
0x8e: {  	[smem:$0x3FC3] =	sst s2  }
0x8f: {  	_ = 	snop  }
0x90: {  	(tm) =	ssettm $0x1  }
0x91: {  	s17 =	sld [smem:$0x3FFB];
	_ =	sdelay $0x3  }
0x92: {  	_ =	strace s17  }
0x93: {  	s2 =	sld [smem:$0x3FFC];
	_ =	sdelay $0x3  }
0x94: {  	_ =	strace s2  }
0x95: {  	s2 =	sld [smem:$0x3FFD];
	_ =	sdelay $0x3  }
0x96: {  	_ =	strace s2  }
0x97: {  	_ =	strace $0x8FFFFFFF  }
0x98: {  	s18 =	sld [smem:$0x3FDB];
	_ =	sdelay $0x1  }
0x99: {  	s19 =	simm.s32 $_scs_section_size  }
0x9a: {  	s4 =	simm.s32 $_size__tile_overlayer_lowered;
	s5 =	simm.s32 $_tile_overlayer_lowered  }
0x9b: {  	s22 =	simm.s32 $0x1BFF;
	s21 =	sshll.u32 s5, $0x1;
	s2 =	sadd.s32 s19, s18  }
0x9c: {  	s6 =	simm.s32 $0x0;
	s20 =	sshll.u32 s4, $0x1;
	s4 =	sadd.s32 s21, s2  }
0x9d: {  	[timem:s6], [sflag:s22] =	dma.local [hbm:s4], s20  }
0x9e: {  	_ =	swait.ge [sflag:s22], s20  }
0x9f: {  	s3 =	ssub.s32 $0x0, s20;
	[sflag:s22] =	ssyncset.done $0x0  }
0xa0: {  	[sflag:s22] =	ssyncadd.s32 s3;
	_ =	sdelay $0x1  }
0xa1: {  	s23 =	simm.s32 $0x1B8B  }
0xa2: {  	_ =	swait.ge [sflag:s23], $0x1  }
0xa3: {  	[sflag:s23] =	ssyncset.done $0x0  }
0xa4: {  	s25 =	simm.s32 $0x1B8E;
	s24 =	sld [smem:$0x3FFE];
	[sflag:s23] =	ssyncadd.s32 $0xFFFFFFFF  }
0xa5: {  	s26 =	simm.s32 $execute0_lowered;
	[smem:$0x3FD2] =	sst s25  }
0xa6: {  	s4 =	sshll.u32 s26, $0x1;
	_ =	strace $0x80000046;
	[dreg:$0x1] =	wrdreg $0xFFFFFFFF  }
0xa7: {  	s28 =	simm.s32 $_size_execute0_lowered;
	s2 =	sadd.s32 s2, s4;
	[dreg:$0x0] =	wrdreg $0x0  }
0xa8: {  	s4 =	sshll.u32 s28, $0x1;
	[dreg:$0x2] =	wrdreg s2  }
0xa9: {  	[dreg:$0x3] =	wrdreg s4  }
0xaa: {  	[dreg:$0x4] =	wrdreg $0xC0  }
0xab: {  	_ =	task [dreg:s6], $0x5FFFF  }
0xac: {  	[dreg:$0x1] =	wrdreg $0xFFFFFFFF  }
0xad: {  	[dreg:$0x0] =	wrdreg $0x60  }
0xae: {  	[dreg:$0x2] =	wrdreg s24  }
0xaf: {  	[dreg:$0x3] =	wrdreg $0x9  }
0xb0: {  	_ =	task.clear_ibuf [dreg:s6], $0x4FFFF;
	_ =	strace $0x90000046  }
0xb1: {  	s29 =	simm.s32 $0x9;
	_ =	strace $0x80000048  }
0xb2: {  	_ =	swait.ge [sflag:s29], $0x1  }
0xb3: {  	[sflag:s29] =	ssyncadd.s32 $0xFFFFFFFF  }
0xb4: {  	_ =	strace $0x90000048  }
0xb5: {  	_ =	sfence  }
0xb6: {  	s30 =	sld [smem:$0x0];
	_ =	sdelay $0x2  }
0xb7: {  	s31 =	sshll.u32 s1, $0xD;
	s1 =	sshrl.u32 s1, $0x2  }
0xb8: {  	s3 =	sand.u32 $0x4000, s31;
	s1 =	sadd.s32 s1, s30  }
0xb9: {  	s0 =	sor.u32 s3, s0;
	s1 =	sshll.u32 s1, $0x11  }
0xba: {  	s0 =	sor.u32 s1, s0  }
0xbb: {  	s0 =	sadd.s32 $0x8F2B, s0  }
0xbc: {  	[sflag:s0] =	ssyncadd.remote.s32 $0x1  }
0xbd: {  	_ =	sfence.sel $0xFFFF  }
0xbe: {  	[dreg:$0x0] =	wrdreg $0xFFFFFFFF;
	(pc) =	sbr.abs _section_cstart, $3  }
0xbf: {  	[dreg:$0x1] =	wrdreg $0xFFFFFFFF  }
0xc0: {  	_ =	task.clear_ibuf [dreg:s6], $0x2FFFF;
	_ =	strace $0x9FFFFFFF  }
0xc1: {  	(tm) =	ssettm $0x7FFFFFFF  }
tec
execute0_lowered:
.L_overlay_start_1:
0x0: {  	(tag) =	ssettag $0x1  }
0x1: {  	s0 =	rddreg [dreg:$0x0]  }
0x2: {  	s1 =	srdreg.scid;
	s3 =	stileid.u32  }
0x3: {  	s2 =	simm.s32 $0x0;
	s15 =	simm.s32 $0x2;
	s16 =	simm.s32 $0xA00  }
0x4: {  	s17 =	simm.s32 $0x1400;
	s18 =	simm.s32 $0xA0;
	s19 =	simm.s32 $0x4600  }
0x5: {  	s20 =	simm.s32 $0x6E00;
	s22 =	simm.s32 $0x9600;
	s23 =	simm.s32 $0x1  }
0x6: {  	s30 =	simm.s32 $0x19000;
	s1 =	sand.u32 $0x1, s1;
	s3 =	sshll.u32 s3, $0x1  }
0x7: {  	s31 =	simm.s32 $0x0;
	[smem:$0x7FF] =	sst s2;
	s4 =	sor.u32 s1, s3  }
0x8: {  	_ =	strace $0x80000047;
	s1 =	ssub.s32 $0x2, s1;
	s5 =	smul.u32 $0xA00, s4  }
0x9: {  	s3 =	sadd.s32 $0x1313800, s0;
	s6 =	smul.u32 $0x640, s4;
	s29 =	sshrl.u32 s1, $0x1  }
0xa: {  	s4 =	sadd.s32 $0xF42E00, s0;
	s1 =	ssub.s32 s1, s29;
	s5 =	sshrl.u32 s5, $0x3  }
0xb: {  	s7 =	sadd.s32 s6, s0;
	s14 =	smax.u32 s1, $0x1;
	s0 =	sadd.s32 s5, s0  }
0xc: {  	s7 =	sadd.s32 $0x140A00, s7;
	s5 =	sadd.s32 $0x3200, s0;
	s6 =	sadd.s32 $0xA00, s0  }
0xd: {  	s8 =	sadd.s32 $0x5A00, s0;
	s9 =	sadd.s32 $0x8200, s0;
	s10 =	sadd.s32 $0xAA00, s0  }
0xe: {  	v0 =	vlaneseq.u32;
	s11 =	sadd.s32 $0xD200, s0;
	s12 =	sadd.s32 $0xFA00, s0;
	s13 =	sadd.s32 $0x12200, s0  }
.LBB2_1:
0xf: {  	[tilespmem:s2], [sflag:$0x2] =	stream.linear.gather [hbm4b:s5+s2], $0xA00, $0x38;
	[tilespmem:$0x19A00] =	vst v63  }
0x10: {  	_ =	swait.ge [sflag:s15], $0xA00  }
0x11: {  	[sflag:s15] =	ssyncset.done $0x0  }
0x12: {  	[sflag:s15] =	ssyncadd.s32 $0xFFFFF600  }
0x13: {  	[tilespmem:s16], [sflag:$0x2] =	stream.linear.gather [hbm4b:s6+s2], $0xA00, $0x38;
	[tilespmem:$0x19A00] =	vst v63  }
0x14: {  	_ =	swait.ge [sflag:s15], $0xA00  }
0x15: {  	[sflag:s15] =	ssyncset.done $0x0  }
0x16: {  	[sflag:s15] =	ssyncadd.s32 $0xFFFFF600  }
0x17: {  	[tilespmem:s17], [sflag:$0x2] =	stream.linear.gather [hbm4b:s7+s2], $0x3200, $0x38;
	[tilespmem:$0x19A00] =	vst v63  }
0x18: {  	_ =	swait.ge [sflag:s15], $0x3200  }
0x19: {  	[sflag:s15] =	ssyncset.done $0x0  }
0x1a: {  	[sflag:s15] =	ssyncadd.s32 $0xFFFFCE00  }
0x1b: {  	[tilespmem:s19], [sflag:$0x1] =	stream.indirect.gather [hbm4b:s3+s18], $0x20, s2, s18, $0xb8;
	[tilespmem:$0x19A00] =	vst v63  }
0x1c: {  	_ = 	snop  }
0x1d: {  	[tilespmem:s20], [sflag:$0x1] =	stream.indirect.gather [hbm4b:s4+s18], $0x20, s16, s18, $0xb8;
	[tilespmem:$0x19A00] =	vst v63  }
0x1e: {  	s0 =	simm.s32 $0x320;
	s24 =	simm.s32 $0x17C00;
	s1 =	simm.s32 $0x0  }
0x1f: {  	[tilespmem:s22], [sflag:$0x1] =	stream.indirect.gather [hbm4b:s4+s0], $0x20, s17, s0, $0xb8;
	[tilespmem:$0x19A00] =	vst v63  }
.LBB2_3:
0x20: {  	s0 =	sand.u32 $0x1, s1;
	p0 =	seq.s32 s1, $0xF  }
0x21: {  	s21 =	sxor.u32 @!p0 $0x1, s0  }
0x22: {  	s1 =	sadd.s32 $0x1, s1;
	s25 =	smul.u32 @!p0 $0x1400, s21  }
0x23: {  	s26 =	smul.u32 @!p0 $0xA0, s1  }
0x24: {  	s29 =	simm.s32 @!p0 $0xA0;
	s21 =	smul.u32 @!p0 $0x19000, s21;
	s28 =	sadd.s32 @!p0 $0x4600, s25  }
0x25: {  	[tilespmem:s28], [sflag:$0x1] =	stream.indirect.gather @!p0 [hbm4b:s3+s29], $0x20, s26, s29, $0xb8;
	[tilespmem:$0x19A00] =	vst v63  }
0x26: {  	s25 =	sadd.s32 @!p0 $0x6E00, s25;
	s26 =	sadd.s32 @!p0 $0xA00, s26;
	s28 =	smul.u32 @!p0 $0xC80, s1  }
0x27: {  	[tilespmem:s25], [sflag:$0x1] =	stream.indirect.gather @!p0 [hbm4b:s4+s29], $0x20, s26, s29, $0xb8;
	[tilespmem:$0x19A00] =	vst v63  }
0x28: {  	s21 =	sshrl.u32 @!p0 s21, $0x2;
	s25 =	sshra.s32 @!p0 s28, $0x2  }
0x29: {  	s21 =	sadd.s32 @!p0 $0x9600, s21;
	s26 =	simm.s32 @!p0 $0x320;
	s25 =	sadd.s32 @!p0 $0x1400, s25  }
0x2a: {  	[tilespmem:s21], [sflag:$0x1] =	stream.indirect.gather @!p0 [hbm4b:s4+s26], $0x20, s25, s26, $0xb8;
	[tilespmem:$0x19A00] =	vst v63  }
0x2b: {  	_ =	swait.ge [sflag:s23], $0x1400  }
0x2c: {  	[sflag:s23] =	ssyncset.done $0x0  }
0x2d: {  	[sflag:s23] =	ssyncadd.s32 $0xFFFFEC00  }
0x2e: {  	_ =	swait.ge [sflag:s23], $0x1400  }
0x2f: {  	v2 =	vmov s0;
	[sflag:s23] =	ssyncset.done $0x0  }
0x30: {  	v1 =	vmul.u32 $0x6400, v2;
	v2 =	vmul.u32 $0x1400, v2;
	[sflag:s23] =	ssyncadd.s32 $0xFFFFEC00  }
0x31: {  	_ =	swait.ge [sflag:s23], $0x6400  }
0x32: {  	[tilespmem:$0x1FFA0] =	vst v2  }
0x33: {  	v2 =	vor.u32 $0x20, v1;
	[tilespmem:$0x1FFE0] =	vst v1  }
0x34: {  	[tilespmem:$0x1FFB0] =	vst v2;
	v2 =	vor.u32 $0x40, v1  }
0x35: {  	[tilespmem:$0x1FFC0] =	vst v2;
	v2 =	vor.u32 $0x60, v1  }
0x36: {  	[sflag:s23] =	ssyncset.done $0x0;
	v1 =	vor.u32 $0x80, v1;
	[tilespmem:$0x1FFD0] =	vst v2  }
0x37: {  	s0 =	smov.u32 s24;
	s21 =	simm.s32 $0x0;
	[sflag:s23] =	ssyncadd.s32 $0xFFFF9C00;
	[tilespmem:$0x1FFF0] =	vst v1  }
.LBB2_4:
0x38: {  	v7 =	vor.u32 s21, v0;
	v0 =	vld [tilespmem:$0x1FFA0];
	_ =	sdelay $0x3  }
0x39: {  	v8 =	vshll.u32 v7, $0x5  }
0x3a: {  	v12 =	vadd.s32 v0, v8;
	v0 =	vld [tilespmem:$0x1FFE0];
	_ =	sdelay $0x2  }
0x3b: {  	v7 =	vmul.u32 $0xA0, v7;
	v13 =	vor.u32 $0x1, v12;
	_ =	sdelay $0x1  }
0x3c: {  	v21 =	vor.u32 $0x2, v12;
	v11 =	vadd.s32 v0, v7;
	v0 =	vld [tilespmem:$0x1FFB0]  }
0x3d: {  	v41 =	vor.u32 $0x4, v12;
	v15 =	vld.idx.msk [tilespmem:v12+s19+$0x0], $0xffff  }
0x3e: {  	v14 =	vld.idx.msk [tilespmem:v12+s20+$0x0], $0xffff  }
0x3f: {  	v33 =	vld.idx.msk [tilespmem:v13+s19+$0x0], $0xffff  }
0x40: {  	v16 =	vor.u32 $0x1, v11;
	v32 =	vld.idx.msk [tilespmem:v13+s20+$0x0], $0xffff  }
0x41: {  	v42 =	vld.idx.msk [tilespmem:v21+s20+$0x0], $0xffff  }
0x42: {  	v61 =	vor.u32 $0x2, v11;
	v55 =	vld.idx.msk [tilespmem:v41+s20+$0x0], $0xffff  }
0x43: {  	v24 =	vor.u32 $0x3, v11;
	v10 =	vadd.s32 v0, v7;
	v0 =	vld [tilespmem:$0x1FFC0]  }
0x44: {  	v53 =	vor.u32 $0x5, v12;
	v20 =	vld.idx.msk [tilespmem:v11+s22+$0x0], $0xffff  }
0x45: {  	v54 =	vor.u32 $0x5, v11;
	v35 =	vld.idx.msk [tilespmem:v16+s22+$0x0], $0xffff  }
0x46: {  	v16 =	vld.idx.msk [tilespmem:v21+s19+$0x0], $0xffff  }
0x47: {  	v49 =	vld.idx.msk [tilespmem:v61+s22+$0x0], $0xffff  }
0x48: {  	v17 =	vor.u32 $0x1, v10;
	v34 =	vld.idx.msk [tilespmem:v24+s22+$0x0], $0xffff  }
0x49: {  	v62 =	vor.u32 $0x2, v10;
	v61 =	vld.idx.msk [tilespmem:v53+s20+$0x0], $0xffff  }
0x4a: {  	v25 =	vor.u32 $0x3, v10;
	v59 =	vld.idx.msk [tilespmem:v54+s22+$0x0], $0xffff  }
0x4b: {  	v43 =	vor.u32 $0x4, v11;
	v9 =	vadd.s32 v0, v7;
	v0 =	vld [tilespmem:$0x1FFD0]  }
0x4c: {  	v46 =	vor.u32 $0x4, v10;
	v22 =	vld.idx.msk [tilespmem:v10+s22+$0x0], $0xffff  }
0x4d: {  	v3 =	vor.u32 $0x8, v10;
	v37 =	vld.idx.msk [tilespmem:v17+s22+$0x0], $0xffff  }
0x4e: {  	v50 =	vld.idx.msk [tilespmem:v62+s22+$0x0], $0xffff  }
0x4f: {  	v44 =	vld.idx.msk [tilespmem:v25+s22+$0x0], $0xffff  }
0x50: {  	v18 =	vor.u32 $0x1, v9;
	v62 =	vld.idx.msk [tilespmem:v43+s22+$0x0], $0xffff  }
0x51: {  	v63 =	vor.u32 $0x2, v9;
	v56 =	vld.idx.msk [tilespmem:v46+s22+$0x0], $0xffff  }
0x52: {  	v27 =	vor.u32 $0x3, v9;
	v3 =	vld.idx.msk [tilespmem:v3+s22+$0x0], $0xffff  }
0x53: {  	v8 =	vadd.s32 v0, v7;
	v0 =	vld [tilespmem:$0x1FFF0]  }
0x54: {  	v25 =	vor.u32 $0x6, v12;
	v26 =	vld.idx.msk [tilespmem:v9+s22+$0x0], $0xffff  }
0x55: {  	v38 =	vld.idx.msk [tilespmem:v18+s22+$0x0], $0xffff  }
0x56: {  	v43 =	vor.u32 $0x6, v11;
	v63 =	vld.idx.msk [tilespmem:v63+s22+$0x0], $0xffff  }
0x57: {  	v45 =	vld.idx.msk [tilespmem:v27+s22+$0x0], $0xffff  }
0x58: {  	v19 =	vor.u32 $0x1, v8;
	v27 =	vld.idx.msk [tilespmem:v53+s19+$0x0], $0xffff  }
0x59: {  	v4 =	vor.u32 $0x2, v8;
	v17 =	vld.idx.msk [tilespmem:v25+s19+$0x0], $0xffff  }
0x5a: {  	v6 =	vor.u32 $0x3, v12;
	v46 =	vld.idx.msk [tilespmem:v25+s20+$0x0], $0xffff  }
0x5b: {  	v43 =	vld.idx.msk [tilespmem:v43+s22+$0x0], $0xffff  }
0x5c: {  	v23 =	vor.u32 $0x3, v8;
	v30 =	vld.idx.msk [tilespmem:v8+s22+$0x0], $0xffff  }
0x5d: {  	v39 =	vld.idx.msk [tilespmem:v19+s22+$0x0], $0xffff  }
0x5e: {  	v24 =	vor.u32 $0x4, v8;
	v28 =	vld.idx.msk [tilespmem:v4+s22+$0x0], $0xffff  }
0x5f: {  	v18 =	vor.u32 $0x6, v9;
	v7 =	vadd.s32 v0, v7;
	v19 =	vld.idx.msk [tilespmem:v6+s19+$0x0], $0xffff  }
0x60: {  	v5 =	vor.u32 $0x2, v7;
	v4 =	vld.idx.msk [tilespmem:v6+s20+$0x0], $0xffff  }
0x61: {  	v60 =	vor.u32 $0x1, v7;
	v51 =	vld.idx.msk [tilespmem:v23+s22+$0x0], $0xffff  }
0x62: {  	v23 =	vld.idx.msk [tilespmem:v41+s19+$0x0], $0xffff;
	v1 =	vor.u32 $0x7, v7  }
0x63: {  	v29 =	vor.u32 $0x3, v7;
	v57 =	vld.idx.msk [tilespmem:v24+s22+$0x0], $0xffff  }
0x64: {  	v48 =	vor.u32 $0x4, v7;
	v0 =	vld.idx.msk [tilespmem:v18+s22+$0x0], $0xffff  }
0x65: {  	v36 =	vld.idx.msk [tilespmem:v5+s22+$0x0], $0xffff;
	v5 =	vor.u32 $0x5, v10  }
0x66: {  	v6 =	vor.u32 $0x5, v9;
	v40 =	vld.idx.msk [tilespmem:v60+s22+$0x0], $0xffff  }
0x67: {  	v47 =	vor.u32 $0x4, v9;
	v1 =	vld.idx.msk [tilespmem:v1+s22+$0x0], $0xffff  }
0x68: {  	v41 =	vor.u32 $0x5, v7;
	v52 =	vld.idx.msk [tilespmem:v29+s22+$0x0], $0xffff  }
0x69: {  	v18 =	vor.u32 $0x7, v11;
	v58 =	vld.idx.msk [tilespmem:v48+s22+$0x0], $0xffff  }
0x6a: {  	v54 =	vld.idx.msk [tilespmem:v5+s22+$0x0], $0xffff;
	v5 =	vor.u32 $0x6, v8  }
0x6b: {  	v48 =	vld.idx.msk [tilespmem:v6+s22+$0x0], $0xffff;
	v6 =	vor.u32 $0x6, v7  }
0x6c: {  	v60 =	vld.idx.msk [tilespmem:v47+s22+$0x0], $0xffff;
	[tilespmem:$0x1FF70] =	vst v1;
	v1 =	vor.u32 $0x8, v9  }
0x6d: {  	v21 =	vor.u32 $0x6, v10;
	v47 =	vld.idx.msk [tilespmem:v41+s22+$0x0], $0xffff  }
0x6e: {  	v29 =	vor.u32 $0x5, v8;
	[tilespmem:$0x1FF30] =	vst v0;
	v0 =	vld.idx.msk [tilespmem:v18+s22+$0x0], $0xffff  }
0x6f: {  	v24 =	vld.idx.msk [tilespmem:v5+s22+$0x0], $0xffff;
	v5 =	vor.u32 $0x7, v9  }
0x70: {  	v25 =	vld.idx.msk [tilespmem:v6+s22+$0x0], $0xffff;
	v6 =	vor.u32 $0x7, v8  }
0x71: {  	v1 =	vld.idx.msk [tilespmem:v1+s22+$0x0], $0xffff  }
0x72: {  	v41 =	vld.idx.msk [tilespmem:v21+s22+$0x0], $0xffff;
	v21 =	vor.u32 $0x7, v10  }
0x73: {  	v20 =	vmul.f32 v20, v15;
	v18 =	vor.u32 $0x8, v12;
	v53 =	vld.idx.msk [tilespmem:v29+s22+$0x0], $0xffff  }
0x74: {  	[tilespmem:$0x1FF40] =	vst v0;
	v0 =	vld.idx.msk [tilespmem:v5+s22+$0x0], $0xffff  }
0x75: {  	v35 =	vmul.f32 v35, v33;
	v20 =	vadd.f32 $0.0e+00, v20;
	v29 =	vor.u32 $0x7, v12;
	v2 =	vld.idx.msk [tilespmem:v6+s22+$0x0], $0xffff  }
0x76: {  	v31 =	vld.idx.msk [tilespmem:v7+s22+$0x0], $0xffff;
	[tilespmem:$0x1FF90] =	vst v1;
	v1 =	vor.u32 $0x9, v11  }
0x77: {  	v49 =	vmul.f32 v49, v16;
	v20 =	vadd.f32 v35, v20;
	v26 =	vmul.f32 v26, v15;
	v21 =	vld.idx.msk [tilespmem:v21+s22+$0x0], $0xffff  }
0x78: {  	v22 =	vmul.f32 v22, v15;
	v38 =	vmul.f32 v38, v33;
	v6 =	vld.idx.msk [tilespmem:v18+s20+$0x0], $0xffff;
	v5 =	vor.u32 $0x8, v11  }
0x79: {  	v26 =	vadd.f32 $0.0e+00, v26;
	[tilespmem:$0x1FF50] =	vst v0;
	v0 =	vmul.f32 v14, v15;
	v14 =	vld.idx.msk [tilespmem:v18+s19+$0x0], $0xffff;
	v18 =	vor.u32 $0x8, v7  }
0x7a: {  	v37 =	vmul.f32 v37, v33;
	v22 =	vadd.f32 $0.0e+00, v22;
	v13 =	vld.idx.msk [tilespmem:v29+s19+$0x0], $0xffff;
	[tilespmem:$0x1FF60] =	vst v2;
	v2 =	vor.u32 $0x8, v8  }
0x7b: {  	v26 =	vadd.f32 v38, v26;
	v30 =	vmul.f32 v30, v15;
	v38 =	vld.idx.msk [tilespmem:v1+s22+$0x0], $0xffff;
	v1 =	vor.u32 $0xA, v12  }
0x7c: {  	v31 =	vmul.f32 v31, v15;
	v29 =	vld.idx.msk [tilespmem:v29+s20+$0x0], $0xffff;
	v15 =	vadd.f32 $0.0e+00, v0;
	v0 =	vor.u32 $0x9, v12  }
0x7d: {  	v32 =	vmul.f32 v32, v33;
	v50 =	vmul.f32 v50, v16;
	v22 =	vadd.f32 v37, v22;
	v5 =	vld.idx.msk [tilespmem:v5+s22+$0x0], $0xffff  }
0x7e: {  	v20 =	vadd.f32 v49, v20;
	v37 =	vld.idx.msk [tilespmem:v18+s22+$0x0], $0xffff;
	v18 =	vor.u32 $0x9, v9  }
0x7f: {  	[tilespmem:$0x1FF80] =	vst v3;
	v22 =	vadd.f32 v50, v22;
	v3 =	vadd.f32 v32, v15;
	v32 =	vld.idx.msk [tilespmem:v2+s22+$0x0], $0xffff;
	v2 =	vor.u32 $0x9, v10  }
0x80: {  	v35 =	vmul.f32 v39, v33;
	v39 =	vor.u32 $0x9, v8;
	v30 =	vadd.f32 $0.0e+00, v30;
	v49 =	vld.idx.msk [tilespmem:v1+s20+$0x0], $0xffff  }
0x81: {  	v50 =	vmul.f32 v28, v16;
	v40 =	vmul.f32 v40, v33;
	v31 =	vadd.f32 $0.0e+00, v31;
	v15 =	vld.idx.msk [tilespmem:v0+s19+$0x0], $0xffff  }
0x82: {  	v30 =	vadd.f32 v35, v30;
	v35 =	vmul.f32 v42, v16;
	v33 =	vld.idx.msk [tilespmem:v0+s20+$0x0], $0xffff;
	v0 =	vor.u32 $0x9, v7  }
0x83: {  	v4 =	vmul.f32 v4, v19;
	v31 =	vadd.f32 v40, v31;
	v42 =	vld.idx.msk [tilespmem:v18+s22+$0x0], $0xffff;
	v18 =	vor.u32 $0xA, v11  }
0x84: {  	v40 =	vld.idx.msk [tilespmem:v2+s22+$0x0], $0xffff;
	v2 =	vadd.f32 v35, v3;
	v3 =	vmul.f32 v63, v16;
	v63 =	vor.u32 $0xA, v10  }
0x85: {  	v34 =	vmul.f32 v34, v19;
	v28 =	vmul.f32 v36, v16;
	v16 =	vld.idx.msk [tilespmem:v1+s19+$0x0], $0xffff;
	v1 =	vor.u32 $0xA, v7  }
0x86: {  	v36 =	vor.u32 $0xA, v8;
	v35 =	vld.idx.msk [tilespmem:v39+s22+$0x0], $0xffff;
	v3 =	vadd.f32 v3, v26;
	v26 =	vadd.f32 v50, v30  }
0x87: {  	v2 =	vadd.f32 v4, v2;
	v4 =	vor.u32 $0xB, v12;
	v30 =	vmul.f32 v45, v19;
	v39 =	vld.idx.msk [tilespmem:v0+s22+$0x0], $0xffff  }
0x88: {  	v28 =	vadd.f32 v28, v31;
	v0 =	vor.u32 $0xA, v9;
	v50 =	vld.idx.msk [tilespmem:v18+s22+$0x0], $0xffff  }
0x89: {  	v3 =	vadd.f32 v30, v3;
	v18 =	vadd.f32 v34, v20;
	v20 =	vmul.f32 v44, v19;
	v44 =	vld.idx.msk [tilespmem:v63+s22+$0x0], $0xffff  }
0x8a: {  	v34 =	vmul.f32 v51, v19;
	v19 =	vmul.f32 v52, v19;
	v52 =	vld.idx.msk [tilespmem:v1+s22+$0x0], $0xffff;
	v1 =	vor.u32 $0xB, v9  }
0x8b: {  	v30 =	vmul.f32 v55, v23;
	v51 =	vld.idx.msk [tilespmem:v36+s22+$0x0], $0xffff;
	v63 =	vmul.f32 v61, v27;
	v61 =	vor.u32 $0xC, v8  }
0x8c: {  	v31 =	vmul.f32 v62, v23;
	v36 =	vmul.f32 v56, v23;
	v55 =	vld.idx.msk [tilespmem:v4+s20+$0x0], $0xffff;
	v20 =	vadd.f32 v20, v22  }
0x8d: {  	v54 =	vmul.f32 v54, v27;
	v2 =	vadd.f32 v30, v2;
	v45 =	vld.idx.msk [tilespmem:v0+s22+$0x0], $0xffff;
	v0 =	vor.u32 $0xB, v11  }
0x8e: {  	v22 =	vor.u32 $0xB, v10;
	v28 =	vadd.f32 v19, v28;
	v19 =	vld.idx.msk [tilespmem:v4+s19+$0x0], $0xffff;
	v20 =	vadd.f32 v36, v20  }
0x8f: {  	v26 =	vadd.f32 v34, v26;
	v34 =	vor.u32 $0xB, v8;
	v36 =	vmul.f32 v57, v23;
	v57 =	vld.idx.msk [tilespmem:v1+s22+$0x0], $0xffff  }
0x90: {  	v4 =	vor.u32 $0xB, v7;
	v20 =	vadd.f32 v54, v20;
	v54 =	vmul.f32 v41, v17;
	v41 =	vld.idx.msk [tilespmem:v61+s22+$0x0], $0xffff  }
0x91: {  	v60 =	vmul.f32 v60, v23;
	v18 =	vadd.f32 v31, v18;
	v31 =	vor.u32 $0xC, v10;
	v61 =	vld [tilespmem:$0x1FF30]  }
0x92: {  	v2 =	vadd.f32 v63, v2;
	v63 =	vmul.f32 v53, v27;
	v53 =	vor.u32 $0xD, v11;
	v56 =	vld.idx.msk [tilespmem:v0+s22+$0x0], $0xffff  }
0x93: {  	v3 =	vadd.f32 v60, v3;
	v60 =	vld.idx.msk [tilespmem:v22+s22+$0x0], $0xffff  }
0x94: {  	v62 =	vmul.f32 v58, v23;
	v1 =	vor.u32 $0xC, v11;
	v58 =	vld.idx.msk [tilespmem:v34+s22+$0x0], $0xffff  }
0x95: {  	v26 =	vadd.f32 v36, v26;
	v36 =	vmul.f32 v59, v27;
	v59 =	vld.idx.msk [tilespmem:v4+s22+$0x0], $0xffff  }
0x96: {  	v0 =	vor.u32 $0xC, v12;
	v22 =	vadd.f32 v62, v28;
	v34 =	vmul.f32 v46, v17;
	v46 =	vld.idx.msk [tilespmem:v31+s22+$0x0], $0xffff  }
0x97: {  	v62 =	vmul.f32 v48, v27;
	v26 =	vadd.f32 v63, v26;
	v63 =	vmul.f32 v29, v13;
	v29 =	vld.idx.msk [tilespmem:v53+s22+$0x0], $0xffff  }
0x98: {  	v4 =	vor.u32 $0xC, v9;
	v53 =	vld [tilespmem:$0x1FF40]  }
0x99: {  	v30 =	vor.u32 $0xD, v10;
	v27 =	vmul.f32 v47, v27;
	v3 =	vadd.f32 v62, v3;
	v47 =	vld.idx.msk [tilespmem:v1+s22+$0x0], $0xffff  }
0x9a: {  	v2 =	vadd.f32 v34, v2;
	v34 =	vor.u32 $0xD, v8;
	v62 =	vmul.f32 v61, v17;
	v61 =	vld [tilespmem:$0x1FF50]  }
0x9b: {  	v24 =	vmul.f32 v24, v17;
	v18 =	vadd.f32 v36, v18;
	v36 =	vmul.f32 v43, v17;
	v23 =	vld.idx.msk [tilespmem:v0+s19+$0x0], $0xffff  }
0x9c: {  	v22 =	vadd.f32 v27, v22;
	v1 =	vor.u32 $0xD, v12;
	v17 =	vmul.f32 v25, v17;
	v48 =	vld.idx.msk [tilespmem:v0+s20+$0x0], $0xffff  }
0x9d: {  	v43 =	vld.idx.msk [tilespmem:v4+s22+$0x0], $0xffff  }
0x9e: {  	v22 =	vadd.f32 v17, v22;
	v17 =	vld.idx.msk [tilespmem:v30+s22+$0x0], $0xffff  }
0x9f: {  	v26 =	vadd.f32 v24, v26;
	v24 =	vld.idx.msk [tilespmem:v34+s22+$0x0], $0xffff  }
0xa0: {  	v6 =	vmul.f32 v6, v14;
	v5 =	vmul.f32 v5, v14;
	v0 =	vor.u32 $0xC, v7;
	v34 =	vld [tilespmem:$0x1FF60]  }
0xa1: {  	v20 =	vadd.f32 v54, v20;
	v18 =	vadd.f32 v36, v18;
	v54 =	vmul.f32 v53, v13;
	v27 =	vld.idx.msk [tilespmem:v1+s19+$0x0], $0xffff  }
0xa2: {  	v33 =	vmul.f32 v33, v15;
	v31 =	vmul.f32 v21, v13;
	v28 =	vld.idx.msk [tilespmem:v1+s20+$0x0], $0xffff;
	v1 =	vor.u32 $0xD, v7  }
0xa3: {  	v2 =	vadd.f32 v63, v2;
	v4 =	vor.u32 $0xE, v12;
	v63 =	vadd.f32 v54, v18;
	v54 =	vld [tilespmem:$0x1FF70]  }
0xa4: {  	v38 =	vmul.f32 v38, v15;
	v3 =	vadd.f32 v62, v3;
	v62 =	vmul.f32 v61, v13;
	v61 =	vld [tilespmem:$0x1FF80]  }
0xa5: {  	v40 =	vmul.f32 v40, v15;
	v20 =	vadd.f32 v31, v20;
	v31 =	vor.u32 $0xE, v10;
	v36 =	vld.idx.msk [tilespmem:v0+s22+$0x0], $0xffff  }
0xa6: {  	v35 =	vmul.f32 v35, v15;
	v0 =	vor.u32 $0xD, v9;
	v3 =	vadd.f32 v62, v3;
	v62 =	vld [tilespmem:$0x1FF90]  }
0xa7: {  	v42 =	vmul.f32 v42, v15;
	v18 =	vmul.f32 v34, v13;
	v34 =	vor.u32 $0xE, v8;
	v25 =	vld.idx.msk [tilespmem:v1+s22+$0x0], $0xffff  }
0xa8: {  	v2 =	vadd.f32 v6, v2;
	v1 =	vor.u32 $0xE, v9;
	v30 =	vmul.f32 v54, v13;
	v13 =	vld.idx.msk [tilespmem:v4+s19+$0x0], $0xffff  }
0xa9: {  	v15 =	vmul.f32 v39, v15;
	v53 =	vor.u32 $0xF, v8;
	v54 =	vadd.f32 v18, v26;
	v18 =	vld.idx.msk [tilespmem:v4+s20+$0x0], $0xffff  }
0xaa: {  	v39 =	vor.u32 $0x10, v11;
	v2 =	vadd.f32 v33, v2;
	v6 =	vmul.f32 v61, v14;
	v26 =	vld.idx.msk [tilespmem:v31+s22+$0x0], $0xffff  }
0xab: {  	v33 =	vor.u32 $0x10, v12;
	v4 =	vor.u32 $0xE, v7;
	v61 =	vmul.f32 v32, v14;
	v21 =	vld.idx.msk [tilespmem:v0+s22+$0x0], $0xffff  }
0xac: {  	v5 =	vadd.f32 v5, v63;
	v32 =	vor.u32 $0xF, v11;
	v6 =	vadd.f32 v6, v20;
	v20 =	vld.idx.msk [tilespmem:v34+s22+$0x0], $0xffff  }
0xad: {  	v0 =	vor.u32 $0xE, v11;
	v22 =	vadd.f32 v30, v22;
	v31 =	vadd.f32 v61, v54;
	v1 =	vld.idx.msk [tilespmem:v1+s22+$0x0], $0xffff  }
0xae: {  	v63 =	vmul.f32 v62, v14;
	v14 =	vmul.f32 v37, v14;
	v6 =	vadd.f32 v40, v6;
	v40 =	vld.idx.msk [tilespmem:v53+s22+$0x0], $0xffff  }
0xaf: {  	v31 =	vadd.f32 v35, v31;
	v35 =	vld.idx.msk [tilespmem:v39+s22+$0x0], $0xffff  }
0xb0: {  	v62 =	vor.u32 $0xF, v10;
	v37 =	vadd.f32 v14, v22;
	v22 =	vld.idx.msk [tilespmem:v4+s22+$0x0], $0xffff  }
0xb1: {  	v45 =	vmul.f32 v45, v16;
	v55 =	vmul.f32 v55, v19;
	v61 =	vor.u32 $0xF, v7;
	v32 =	vld.idx.msk [tilespmem:v32+s22+$0x0], $0xffff  }
0xb2: {  	v56 =	vmul.f32 v56, v19;
	v3 =	vadd.f32 v63, v3;
	v63 =	vor.u32 $0xF, v9;
	v30 =	vld.idx.msk [tilespmem:v0+s22+$0x0], $0xffff  }
0xb3: {  	v60 =	vmul.f32 v60, v19;
	v0 =	vor.u32 $0xF, v12;
	v37 =	vadd.f32 v15, v37;
	v15 =	vld.idx.msk [tilespmem:v33+s19+$0x0], $0xffff  }
0xb4: {  	v46 =	vmul.f32 v46, v23;
	v43 =	vmul.f32 v43, v23;
	v33 =	vld.idx.msk [tilespmem:v33+s20+$0x0], $0xffff  }
0xb5: {  	v41 =	vmul.f32 v41, v23;
	v3 =	vadd.f32 v42, v3;
	v42 =	vor.u32 $0x10, v10;
	v34 =	vld.idx.msk [tilespmem:v62+s22+$0x0], $0xffff  }
0xb6: {  	v5 =	vadd.f32 v38, v5;
	v28 =	vmul.f32 v28, v27;
	v39 =	vor.u32 $0x11, v12;
	v38 =	vld.idx.msk [tilespmem:v61+s22+$0x0], $0xffff  }
0xb7: {  	v54 =	vmul.f32 v44, v16;
	v62 =	vmul.f32 v49, v16;
	v4 =	vld.idx.msk [tilespmem:v63+s22+$0x0], $0xffff  }
0xb8: {  	v49 =	vor.u32 $0x10, v9;
	v61 =	vor.u32 $0x10, v8;
	v63 =	vmul.f32 v50, v16;
	v14 =	vld.idx.msk [tilespmem:v0+s19+$0x0], $0xffff  }
0xb9: {  	v2 =	vadd.f32 v62, v2;
	v62 =	vmul.f32 v51, v16;
	v16 =	vmul.f32 v52, v16;
	v0 =	vld.idx.msk [tilespmem:v0+s20+$0x0], $0xffff  }
0xba: {  	v17 =	vmul.f32 v17, v27;
	v6 =	vadd.f32 v54, v6;
	v52 =	vor.u32 $0x11, v10;
	v42 =	vld.idx.msk [tilespmem:v42+s22+$0x0], $0xffff  }
0xbb: {  	v5 =	vadd.f32 v63, v5;
	v63 =	vor.u32 $0x10, v7;
	v37 =	vadd.f32 v16, v37;
	v16 =	vld.idx.msk [tilespmem:v39+s19+$0x0], $0xffff  }
0xbc: {  	v3 =	vadd.f32 v45, v3;
	v6 =	vadd.f32 v60, v6;
	v50 =	vor.u32 $0x11, v11;
	v39 =	vld.idx.msk [tilespmem:v39+s20+$0x0], $0xffff  }
0xbd: {  	v31 =	vadd.f32 v62, v31;
	v62 =	vor.u32 $0x11, v9;
	v44 =	vld.idx.msk [tilespmem:v61+s22+$0x0], $0xffff;
	v61 =	vmul.f32 v57, v19  }
0xbe: {  	v26 =	vmul.f32 v26, v13;
	v60 =	vor.u32 $0x12, v12;
	v6 =	vadd.f32 v46, v6;
	v49 =	vld.idx.msk [tilespmem:v49+s22+$0x0], $0xffff  }
0xbf: {  	v57 =	vor.u32 $0x11, v8;
	v3 =	vadd.f32 v61, v3;
	v61 =	vmul.f32 v47, v23;
	v47 =	vld.idx.msk [tilespmem:v52+s22+$0x0], $0xffff  }
0xc0: {  	v5 =	vadd.f32 v56, v5;
	v56 =	vor.u32 $0x13, v8;
	v51 =	vld.idx.msk [tilespmem:v63+s22+$0x0], $0xffff;
	v63 =	vmul.f32 v58, v19  }
0xc1: {  	v19 =	vmul.f32 v59, v19;
	v59 =	vmul.f32 v48, v23;
	v48 =	vld.idx.msk [tilespmem:v50+s22+$0x0], $0xffff  }
0xc2: {  	v2 =	vadd.f32 v55, v2;
	v6 =	vadd.f32 v17, v6;
	v58 =	vor.u32 $0x11, v7;
	v45 =	vld.idx.msk [tilespmem:v62+s22+$0x0], $0xffff  }
0xc3: {  	v62 =	vor.u32 $0x12, v11;
	v5 =	vadd.f32 v61, v5;
	v23 =	vmul.f32 v36, v23;
	v36 =	vld.idx.msk [tilespmem:v60+s19+$0x0], $0xffff  }
0xc4: {  	v61 =	vor.u32 $0x13, v11;
	v31 =	vadd.f32 v63, v31;
	v19 =	vadd.f32 v19, v37;
	v37 =	vld.idx.msk [tilespmem:v57+s22+$0x0], $0xffff  }
0xc5: {  	v6 =	vadd.f32 v26, v6;
	v2 =	vadd.f32 v59, v2;
	v63 =	vor.u32 $0x12, v10;
	v26 =	vld.idx.msk [tilespmem:v56+s22+$0x0], $0xffff  }
0xc6: {  	v18 =	vmul.f32 v18, v13;
	v57 =	vor.u32 $0x12, v9;
	v31 =	vadd.f32 v41, v31;
	v41 =	vld.idx.msk [tilespmem:v60+s20+$0x0], $0xffff  }
0xc7: {  	v3 =	vadd.f32 v43, v3;
	v59 =	vor.u32 $0x12, v7;
	v2 =	vadd.f32 v28, v2;
	v43 =	vld.idx.msk [tilespmem:v58+s22+$0x0], $0xffff  }
0xc8: {  	v29 =	vmul.f32 v29, v27;
	v19 =	vadd.f32 v23, v19;
	v60 =	vor.u32 $0x13, v12;
	v23 =	vld.idx.msk [tilespmem:v62+s22+$0x0], $0xffff  }
0xc9: {  	v24 =	vmul.f32 v24, v27;
	v2 =	vadd.f32 v18, v2;
	v18 =	vld.idx.msk [tilespmem:v61+s22+$0x0], $0xffff  }
0xca: {  	v25 =	vmul.f32 v25, v27;
	v5 =	vadd.f32 v29, v5;
	v58 =	vor.u32 $0x12, v8;
	v29 =	vld.idx.msk [tilespmem:v63+s22+$0x0], $0xffff  }
0xcb: {  	v53 =	vor.u32 $0x14, v7;
	v21 =	vmul.f32 v21, v27;
	v62 =	vor.u32 $0x13, v10;
	v27 =	vld.idx.msk [tilespmem:v57+s22+$0x0], $0xffff  }
0xcc: {  	v54 =	vor.u32 $0x15, v12;
	v19 =	vadd.f32 v25, v19;
	v61 =	vor.u32 $0x14, v10;
	v25 =	vld.idx.msk [tilespmem:v59+s22+$0x0], $0xffff  }
0xcd: {  	v1 =	vmul.f32 v1, v13;
	v30 =	vmul.f32 v30, v13;
	v63 =	vor.u32 $0x13, v9;
	v50 =	vld.idx.msk [tilespmem:v60+s19+$0x0], $0xffff  }
0xce: {  	v55 =	vmul.f32 v33, v15;
	v3 =	vadd.f32 v21, v3;
	v57 =	vor.u32 $0x13, v7;
	v28 =	vld.idx.msk [tilespmem:v60+s20+$0x0], $0xffff  }
0xcf: {  	v52 =	vor.u32 $0x14, v8;
	v0 =	vmul.f32 v0, v14;
	v59 =	vor.u32 $0x14, v11;
	v17 =	vld.idx.msk [tilespmem:v58+s22+$0x0], $0xffff  }
0xd0: {  	v4 =	vmul.f32 v4, v14;
	v1 =	vadd.f32 v1, v3;
	v3 =	vmul.f32 v20, v13;
	v20 =	vld.idx.msk [tilespmem:v62+s22+$0x0], $0xffff  }
0xd1: {  	v40 =	vmul.f32 v40, v14;
	v56 =	vmul.f32 v35, v15;
	v24 =	vadd.f32 v24, v31;
	v31 =	vld.idx.msk [tilespmem:v61+s22+$0x0], $0xffff  }
0xd2: {  	v5 =	vadd.f32 v30, v5;
	v13 =	vmul.f32 v22, v13;
	v58 =	vor.u32 $0x14, v12;
	v21 =	vld.idx.msk [tilespmem:v63+s22+$0x0], $0xffff  }
0xd3: {  	v46 =	vmul.f32 v51, v15;
	v51 =	vmul.f32 v39, v16;
	v0 =	vadd.f32 v0, v2;
	v2 =	vld.idx.msk [tilespmem:v57+s22+$0x0], $0xffff  }
0xd4: {  	v1 =	vadd.f32 v4, v1;
	v3 =	vadd.f32 v3, v24;
	v62 =	vor.u32 $0x14, v9;
	v22 =	vld.idx.msk [tilespmem:v59+s22+$0x0], $0xffff  }
0xd5: {  	v13 =	vadd.f32 v13, v19;
	v60 =	vmul.f32 v32, v14;
	v63 =	vmul.f32 v34, v14;
	v34 =	vld.idx.msk [tilespmem:v52+s22+$0x0], $0xffff  }
0xd6: {  	v3 =	vadd.f32 v40, v3;
	v0 =	vadd.f32 v55, v0;
	v14 =	vmul.f32 v38, v14;
	v38 =	vld.idx.msk [tilespmem:v53+s22+$0x0], $0xffff  }
0xd7: {  	v55 =	vmul.f32 v45, v16;
	v5 =	vadd.f32 v60, v5;
	v61 =	vor.u32 $0x15, v9;
	v32 =	vld.idx.msk [tilespmem:v58+s19+$0x0], $0xffff  }
0xd8: {  	v60 =	vmul.f32 v49, v15;
	v49 =	vor.u32 $0x15, v7;
	v57 =	vor.u32 $0x15, v11;
	v30 =	vld.idx.msk [tilespmem:v58+s20+$0x0], $0xffff  }
0xd9: {  	v59 =	vor.u32 $0x15, v10;
	v52 =	vor.u32 $0x16, v12;
	v53 =	vmul.f32 v48, v16;
	v19 =	vld.idx.msk [tilespmem:v62+s22+$0x0], $0xffff  }
0xda: {  	v0 =	vadd.f32 v51, v0;
	v27 =	vmul.f32 v27, v36;
	v58 =	vmul.f32 v42, v15;
	v42 =	vld.idx.msk [tilespmem:v54+s19+$0x0], $0xffff  }
0xdb: {  	v25 =	vmul.f32 v25, v36;
	v48 =	vor.u32 $0x17, v11;
	v62 =	vmul.f32 v44, v15;
	v15 =	vld.idx.msk [tilespmem:v54+s20+$0x0], $0xffff  }
0xdc: {  	v51 =	vor.u32 $0x17, v9;
	v5 =	vadd.f32 v56, v5;
	v1 =	vadd.f32 v60, v1;
	v40 =	vld.idx.msk [tilespmem:v61+s22+$0x0], $0xffff  }
0xdd: {  	v56 =	vor.u32 $0x16, v11;
	v60 =	vor.u32 $0x16, v8;
	v6 =	vadd.f32 v63, v6;
	v24 =	vld.idx.msk [tilespmem:v49+s22+$0x0], $0xffff  }
0xde: {  	v13 =	vadd.f32 v14, v13;
	v63 =	vor.u32 $0x15, v8;
	v28 =	vmul.f32 v28, v50;
	v33 =	vld.idx.msk [tilespmem:v57+s22+$0x0], $0xffff  }
0xdf: {  	v18 =	vmul.f32 v18, v50;
	v54 =	vmul.f32 v47, v16;
	v5 =	vadd.f32 v53, v5;
	v35 =	vld.idx.msk [tilespmem:v59+s22+$0x0], $0xffff  }
0xe0: {  	v4 =	vadd.f32 v58, v6;
	v58 =	vmul.f32 v37, v16;
	v16 =	vmul.f32 v43, v16;
	v43 =	vld.idx.msk [tilespmem:v52+s19+$0x0], $0xffff  }
0xe1: {  	v1 =	vadd.f32 v55, v1;
	v61 =	vmul.f32 v23, v36;
	v49 =	vor.u32 $0x17, v10;
	v23 =	vld.idx.msk [tilespmem:v52+s20+$0x0], $0xffff  }
0xe2: {  	v47 =	vmul.f32 v29, v36;
	v20 =	vmul.f32 v20, v50;
	v13 =	vadd.f32 v46, v13;
	v6 =	vld.idx.msk [tilespmem:v60+s22+$0x0], $0xffff  }
0xe3: {  	v57 =	vor.u32 $0x16, v10;
	v59 =	vor.u32 $0x16, v9;
	v5 =	vadd.f32 v61, v5;
	v14 =	vld.idx.msk [tilespmem:v63+s22+$0x0], $0xffff  }
0xe4: {  	v1 =	vadd.f32 v27, v1;
	v21 =	vmul.f32 v21, v50;
	v13 =	vadd.f32 v16, v13;
	v16 =	vld.idx.msk [tilespmem:v56+s22+$0x0], $0xffff  }
0xe5: {  	v3 =	vadd.f32 v62, v3;
	v62 =	vor.u32 $0x16, v7;
	v5 =	vadd.f32 v18, v5;
	v18 =	vld.idx.msk [tilespmem:v48+s22+$0x0], $0xffff  }
0xe6: {  	v55 =	vmul.f32 v26, v50;
	v52 =	vor.u32 $0x17, v8;
	v1 =	vadd.f32 v21, v1;
	v21 =	vld.idx.msk [tilespmem:v49+s22+$0x0], $0xffff  }
0xe7: {  	v2 =	vmul.f32 v2, v50;
	v50 =	vor.u32 $0x19, v11;
	v13 =	vadd.f32 v25, v13;
	v25 =	vld.idx.msk [tilespmem:v51+s22+$0x0], $0xffff  }
0xe8: {  	v17 =	vmul.f32 v17, v36;
	v53 =	vor.u32 $0x17, v7;
	v3 =	vadd.f32 v58, v3;
	v29 =	vld.idx.msk [tilespmem:v57+s22+$0x0], $0xffff  }
0xe9: {  	v41 =	vmul.f32 v41, v36;
	v60 =	vor.u32 $0x18, v9;
	v36 =	vld.idx.msk [tilespmem:v59+s22+$0x0], $0xffff  }
0xea: {  	v63 =	vor.u32 $0x17, v12;
	v58 =	vmul.f32 v22, v32;
	v3 =	vadd.f32 v17, v3;
	v17 =	vld.idx.msk [tilespmem:v62+s22+$0x0], $0xffff  }
0xeb: {  	v0 =	vadd.f32 v41, v0;
	v4 =	vadd.f32 v54, v4;
	v22 =	vld.idx.msk [tilespmem:v52+s22+$0x0], $0xffff  }
0xec: {  	v54 =	vor.u32 $0x18, v12;
	v5 =	vadd.f32 v58, v5;
	v58 =	vmul.f32 v23, v43;
	v23 =	vld.idx.msk [tilespmem:v50+s22+$0x0], $0xffff  }
0xed: {  	v44 =	vor.u32 $0x1A, v9;
	v0 =	vadd.f32 v28, v0;
	v2 =	vadd.f32 v2, v13;
	v13 =	vld.idx.msk [tilespmem:v53+s22+$0x0], $0xffff  }
0xee: {  	v56 =	vmul.f32 v30, v32;
	v61 =	vmul.f32 v31, v32;
	v48 =	vor.u32 $0x19, v12;
	v26 =	vld.idx.msk [tilespmem:v60+s22+$0x0], $0xffff  }
0xef: {  	v46 =	vor.u32 $0x1A, v8;
	v19 =	vmul.f32 v19, v32;
	v34 =	vmul.f32 v34, v32;
	v39 =	vld.idx.msk [tilespmem:v63+s19+$0x0], $0xffff  }
0xf0: {  	v15 =	vmul.f32 v15, v42;
	v4 =	vadd.f32 v47, v4;
	v57 =	vor.u32 $0x18, v11;
	v41 =	vld.idx.msk [tilespmem:v63+s20+$0x0], $0xffff  }
0xf1: {  	v47 =	vmul.f32 v38, v32;
	v59 =	vor.u32 $0x18, v10;
	v0 =	vadd.f32 v56, v0;
	v31 =	vld.idx.msk [tilespmem:v54+s19+$0x0], $0xffff  }
0xf2: {  	v62 =	vor.u32 $0x18, v8;
	v1 =	vadd.f32 v19, v1;
	v49 =	vmul.f32 v33, v42;
	v28 =	vld.idx.msk [tilespmem:v54+s20+$0x0], $0xffff  }
0xf3: {  	v51 =	vmul.f32 v35, v42;
	v52 =	vor.u32 $0x19, v10;
	v0 =	vadd.f32 v15, v0;
	v15 =	vld.idx.msk [tilespmem:v48+s19+$0x0], $0xffff  }
0xf4: {  	v56 =	vmul.f32 v24, v42;
	v3 =	vadd.f32 v55, v3;
	v55 =	vor.u32 $0x19, v8;
	v24 =	vld.idx.msk [tilespmem:v48+s20+$0x0], $0xffff  }
0xf5: {  	v4 =	vadd.f32 v20, v4;
	v53 =	vmul.f32 v40, v42;
	v63 =	vor.u32 $0x18, v7;
	v27 =	vld.idx.msk [tilespmem:v57+s22+$0x0], $0xffff  }
0xf6: {  	v6 =	vmul.f32 v6, v43;
	v5 =	vadd.f32 v49, v5;
	v54 =	vor.u32 $0x19, v9;
	v19 =	vld.idx.msk [tilespmem:v59+s22+$0x0], $0xffff  }
0xf7: {  	v14 =	vmul.f32 v14, v42;
	v16 =	vmul.f32 v16, v43;
	v49 =	vor.u32 $0x1A, v7;
	v33 =	vld.idx.msk [tilespmem:v62+s22+$0x0], $0xffff  }
0xf8: {  	v4 =	vadd.f32 v61, v4;
	v3 =	vadd.f32 v34, v3;
	v60 =	vmul.f32 v29, v43;
	v29 =	vld.idx.msk [tilespmem:v52+s22+$0x0], $0xffff  }
0xf9: {  	v42 =	vor.u32 $0x1C, v9;
	v2 =	vadd.f32 v47, v2;
	v5 =	vadd.f32 v16, v5;
	v16 =	vld.idx.msk [tilespmem:v55+s22+$0x0], $0xffff  }
0xfa: {  	v1 =	vadd.f32 v53, v1;
	v0 =	vadd.f32 v58, v0;
	v58 =	vor.u32 $0x1B, v8;
	v35 =	vld.idx.msk [tilespmem:v63+s22+$0x0], $0xffff  }
0xfb: {  	v3 =	vadd.f32 v14, v3;
	v2 =	vadd.f32 v56, v2;
	v17 =	vmul.f32 v17, v43;
	v34 =	vld.idx.msk [tilespmem:v54+s22+$0x0], $0xffff  }
0xfc: {  	v4 =	vadd.f32 v51, v4;
	v57 =	vor.u32 $0x19, v7;
	v59 =	vor.u32 $0x1A, v12;
	v54 =	vld.idx.msk [tilespmem:v44+s22+$0x0], $0xffff  }
0xfd: {  	v3 =	vadd.f32 v6, v3;
	v2 =	vadd.f32 v17, v2;
	v13 =	vmul.f32 v13, v39;
	v6 =	vld.idx.msk [tilespmem:v46+s22+$0x0], $0xffff  }
0xfe: {  	v61 =	vmul.f32 v36, v43;
	v62 =	vor.u32 $0x1A, v11;
	v51 =	vor.u32 $0x1B, v12;
	v17 =	vld.idx.msk [tilespmem:v42+s22+$0x0], $0xffff  }
0xff: {  	v56 =	vor.u32 $0x1B, v10;
	v55 =	vor.u32 $0x1B, v11;
	v2 =	vadd.f32 v13, v2;
	v13 =	vld.idx.msk [tilespmem:v49+s22+$0x0], $0xffff  }
0x100: {  	v4 =	vadd.f32 v60, v4;
	v45 =	vmul.f32 v41, v39;
	v40 =	vmul.f32 v23, v15;
	v23 =	vld.idx.msk [tilespmem:v58+s22+$0x0], $0xffff  }
0x101: {  	v63 =	vor.u32 $0x1A, v10;
	v47 =	vmul.f32 v18, v39;
	v52 =	vmul.f32 v21, v39;
	v14 =	vld.idx.msk [tilespmem:v57+s22+$0x0], $0xffff  }
0x102: {  	v1 =	vadd.f32 v61, v1;
	v53 =	vmul.f32 v25, v39;
	v22 =	vmul.f32 v22, v39;
	v38 =	vld.idx.msk [tilespmem:v59+s19+$0x0], $0xffff  }
0x103: {  	v28 =	vmul.f32 v28, v31;
	v26 =	vmul.f32 v26, v31;
	v60 =	vor.u32 $0x1C, v12;
	v48 =	vld.idx.msk [tilespmem:v59+s20+$0x0], $0xffff  }
0x104: {  	v41 =	vor.u32 $0x1C, v10;
	v44 =	vor.u32 $0x1C, v8;
	v0 =	vadd.f32 v45, v0;
	v50 =	vld.idx.msk [tilespmem:v62+s22+$0x0], $0xffff  }
0x105: {  	v42 =	vor.u32 $0x1E, v9;
	v5 =	vadd.f32 v47, v5;
	v4 =	vadd.f32 v52, v4;
	v30 =	vld.idx.msk [tilespmem:v51+s19+$0x0], $0xffff  }
0x106: {  	v24 =	vmul.f32 v24, v15;
	v1 =	vadd.f32 v53, v1;
	v3 =	vadd.f32 v22, v3;
	v36 =	vld.idx.msk [tilespmem:v51+s20+$0x0], $0xffff  }
0x107: {  	v45 =	vor.u32 $0x1C, v7;
	v47 =	vor.u32 $0x1D, v12;
	v27 =	vmul.f32 v27, v31;
	v21 =	vld.idx.msk [tilespmem:v56+s22+$0x0], $0xffff  }
0x108: {  	v53 =	vor.u32 $0x1D, v10;
	v57 =	vor.u32 $0x1B, v9;
	v19 =	vmul.f32 v19, v31;
	v20 =	vld.idx.msk [tilespmem:v63+s22+$0x0], $0xffff  }
0x109: {  	v59 =	vor.u32 $0x1B, v7;
	v61 =	vmul.f32 v33, v31;
	v5 =	vadd.f32 v27, v5;
	v27 =	vld.idx.msk [tilespmem:v55+s22+$0x0], $0xffff  }
0x10a: {  	v43 =	vmul.f32 v29, v15;
	v56 =	vor.u32 $0x1D, v9;
	v9 =	vor.u32 $0x1F, v9;
	v29 =	vld.idx.msk [tilespmem:v60+s19+$0x0], $0xffff  }
0x10b: {  	v0 =	vadd.f32 v28, v0;
	v1 =	vadd.f32 v26, v1;
	v16 =	vmul.f32 v16, v15;
	v28 =	vld.idx.msk [tilespmem:v60+s20+$0x0], $0xffff  }
0x10c: {  	v4 =	vadd.f32 v19, v4;
	v62 =	vmul.f32 v35, v31;
	v63 =	vor.u32 $0x1C, v11;
	v18 =	vld.idx.msk [tilespmem:v41+s22+$0x0], $0xffff  }
0x10d: {  	v3 =	vadd.f32 v61, v3;
	v34 =	vmul.f32 v34, v15;
	v52 =	vld.idx.msk [tilespmem:v44+s22+$0x0], $0xffff;
	v61 =	vor.u32 $0x1E, v12  }
0x10e: {  	v44 =	vor.u32 $0x1E, v8;
	v0 =	vadd.f32 v24, v0;
	v2 =	vadd.f32 v62, v2;
	v55 =	vld.idx.msk [tilespmem:v45+s22+$0x0], $0xffff  }
0x10f: {  	v12 =	vor.u32 $0x1F, v12;
	v5 =	vadd.f32 v40, v5;
	v3 =	vadd.f32 v16, v3;
	v16 =	vld.idx.msk [tilespmem:v47+s19+$0x0], $0xffff  }
0x110: {  	v4 =	vadd.f32 v43, v4;
	v1 =	vadd.f32 v34, v1;
	v58 =	vld.idx.msk [tilespmem:v47+s20+$0x0], $0xffff;
	v40 =	vor.u32 $0x1E, v10  }
0x111: {  	v47 =	vor.u32 $0x1E, v7;
	v10 =	vor.u32 $0x1F, v10;
	v22 =	vld.idx.msk [tilespmem:v57+s22+$0x0], $0xffff;
	v14 =	vmul.f32 v14, v15  }
0x112: {  	v24 =	vld.idx.msk [tilespmem:v59+s22+$0x0], $0xffff;
	v48 =	vmul.f32 v48, v38;
	v49 =	vmul.f32 v50, v38;
	v50 =	vor.u32 $0x1D, v11  }
0x113: {  	v54 =	vmul.f32 v54, v38;
	v6 =	vmul.f32 v6, v38;
	v57 =	vor.u32 $0x1D, v8;
	v37 =	vld.idx.msk [tilespmem:v56+s22+$0x0], $0xffff  }
0x114: {  	v13 =	vmul.f32 v13, v38;
	v59 =	vor.u32 $0x1D, v7;
	v41 =	vmul.f32 v23, v30;
	v23 =	vld.idx.msk [tilespmem:v42+s22+$0x0], $0xffff  }
0x115: {  	v60 =	vmul.f32 v36, v30;
	v21 =	vmul.f32 v21, v30;
	v8 =	vor.u32 $0x1F, v8;
	v46 =	vld.idx.msk [tilespmem:v63+s22+$0x0], $0xffff  }
0x116: {  	v7 =	vor.u32 $0x1F, v7;
	v2 =	vadd.f32 v14, v2;
	v0 =	vadd.f32 v48, v0;
	v63 =	vld.idx.msk [tilespmem:v53+s22+$0x0], $0xffff  }
0x117: {  	v51 =	vmul.f32 v20, v38;
	v5 =	vadd.f32 v49, v5;
	v1 =	vadd.f32 v54, v1;
	v43 =	vld.idx.msk [tilespmem:v61+s19+$0x0], $0xffff  }
0x118: {  	v3 =	vadd.f32 v6, v3;
	v62 =	vmul.f32 v27, v30;
	v20 =	vmul.f32 v52, v29;
	v52 =	vld.idx.msk [tilespmem:v44+s22+$0x0], $0xffff  }
0x119: {  	v28 =	vmul.f32 v28, v29;
	v4 =	vadd.f32 v51, v4;
	v51 =	vmul.f32 v55, v29;
	v55 =	vld.idx.msk [tilespmem:v12+s19+$0x0], $0xffff  }
0x11a: {  	v38 =	vor.u32 $0x1E, v11;
	v49 =	vmul.f32 v18, v29;
	v17 =	vmul.f32 v17, v29;
	v12 =	vld.idx.msk [tilespmem:v12+s20+$0x0], $0xffff  }
0x11b: {  	v11 =	vor.u32 $0x1F, v11;
	v2 =	vadd.f32 v13, v2;
	v0 =	vadd.f32 v60, v0;
	v10 =	vld.idx.msk [tilespmem:v10+s22+$0x0], $0xffff  }
0x11c: {  	v5 =	vadd.f32 v62, v5;
	v3 =	vadd.f32 v41, v3;
	v14 =	vmul.f32 v58, v16;
	v26 =	vld.idx.msk [tilespmem:v50+s22+$0x0], $0xffff  }
0x11d: {  	v36 =	vmul.f32 v22, v30;
	v39 =	vld.idx.msk [tilespmem:v57+s22+$0x0], $0xffff;
	v24 =	vmul.f32 v24, v30;
	v4 =	vadd.f32 v21, v4  }
0x11e: {  	v19 =	vld.idx.msk [tilespmem:v59+s22+$0x0], $0xffff;
	v22 =	vmul.f32 v37, v16;
	v0 =	vadd.f32 v28, v0;
	v3 =	vadd.f32 v20, v3  }
0x11f: {  	v50 =	vld.idx.msk [tilespmem:v40+s22+$0x0], $0xffff;
	v1 =	vadd.f32 v36, v1;
	v45 =	vmul.f32 v46, v29;
	v2 =	vadd.f32 v24, v2  }
0x120: {  	v46 =	vld.idx.msk [tilespmem:v61+s20+$0x0], $0xffff;
	v56 =	vmul.f32 v63, v16;
	v61 =	vmul.f32 v23, v43;
	v4 =	vadd.f32 v49, v4  }
0x121: {  	v53 =	vld.idx.msk [tilespmem:v47+s22+$0x0], $0xffff;
	v6 =	vmul.f32 v52, v43;
	v0 =	vadd.f32 v14, v0;
	v5 =	vadd.f32 v45, v5  }
0x122: {  	v48 =	vld.idx.msk [tilespmem:v38+s22+$0x0], $0xffff;
	v1 =	vadd.f32 v17, v1;
	v12 =	vmul.f32 v12, v55;
	v10 =	vmul.f32 v10, v55  }
0x123: {  	v9 =	vld.idx.msk [tilespmem:v9+s22+$0x0], $0xffff;
	v2 =	vadd.f32 v51, v2;
	v54 =	vmul.f32 v26, v16;
	v13 =	vmul.f32 v39, v16  }
0x124: {  	v11 =	vld.idx.msk [tilespmem:v11+s22+$0x0], $0xffff;
	v4 =	vadd.f32 v56, v4;
	v57 =	vmul.f32 v19, v16;
	v60 =	vmul.f32 v50, v43  }
0x125: {  	v8 =	vld.idx.msk [tilespmem:v8+s22+$0x0], $0xffff;
	v1 =	vadd.f32 v22, v1;
	v5 =	vadd.f32 v54, v5;
	v58 =	vmul.f32 v46, v43  }
0x126: {  	v7 =	vld.idx.msk [tilespmem:v7+s22+$0x0], $0xffff;
	v62 =	vmul.f32 v53, v43;
	v3 =	vadd.f32 v13, v3;
	v4 =	vadd.f32 v60, v4  }
0x127: {  	v59 =	vmul.f32 v48, v43;
	v2 =	vadd.f32 v57, v2;
	v0 =	vadd.f32 v58, v0  }
0x128: {  	v9 =	vmul.f32 v9, v55;
	v1 =	vadd.f32 v61, v1;
	v4 =	vadd.f32 v10, v4  }
0x129: {  	v11 =	vmul.f32 v11, v55;
	v5 =	vadd.f32 v59, v5;
	v0 =	vadd.f32 v12, v0  }
0x12a: {  	p0 =	seq.s32 s21, $0x90;
	v63 =	vmul.f32 v8, v55;
	v3 =	vadd.f32 v6, v3;
	v1 =	vadd.f32 v9, v1;
	[tilespmem:s0+$0xFFFFF600] =	vst v4  }
.Ltmp0:
0x12b: {  	v5 =	vadd.f32 v11, v5;
	[tilespmem:s0+$0xFFFFE200] =	vst v0;
	v0 =	vadd.f32 v62, v2;
	v2 =	vmul.f32 v7, v55;
	(pc) =	sbr.rel @!p0 .LBB2_4-.Ltmp0, $4  }
0x12c: {  	v3 =	vadd.f32 v63, v3;
	[tilespmem:s0+$0x0] =	vst v1  }
0x12d: {  	[tilespmem:s0+$0xFFFFEC00] =	vst v5;
	v0 =	vadd.f32 v2, v0  }
0x12e: {  	[tilespmem:s0+$0xA00] =	vst v3  }
0x12f: {  	s21 =	sadd.s32 $0x10, s21;
	[tilespmem:s0+$0x1400] =	vst v0;
	v0 =	vlaneseq.u32;
	s0 =	sadd.s32 $0x10, s0  }
0x130: {  	p0 =	seq.s32 s1, $0x10  }
.Ltmp1:
0x131: {  	_ = 	snop;
	(pc) =	sbr.rel @!p0 .LBB2_3-.Ltmp1, $2  }
0x132: {  	_ =	sdelay $0x2  }
0x133: {  	s24 =	sadd.s32 $0xA0, s24  }
0x134: {  	s0 =	simm.s32 $0x15E00  }
0x135: {  	[hbm4b:s8+s2] =	stream.linear.scatter [tilespmem:s0], [sflag:$0x2], $0xA00, $0x38;
	[tilespmem:$0x19A00] =	vst v63  }
0x136: {  	_ =	swait.ge [sflag:s15], $0xA00  }
0x137: {  	[sflag:s15] =	ssyncset.done $0x0  }
0x138: {  	s25 =	simm.s32 $0x16800;
	[sflag:s15] =	ssyncadd.s32 $0xFFFFF600  }
0x139: {  	[hbm4b:s9+s2] =	stream.linear.scatter [tilespmem:s25], [sflag:$0x2], $0xA00, $0x38;
	[tilespmem:$0x19A00] =	vst v63  }
0x13a: {  	_ =	swait.ge [sflag:s15], $0xA00  }
0x13b: {  	[sflag:s15] =	ssyncset.done $0x0  }
0x13c: {  	s26 =	simm.s32 $0x17200;
	[sflag:s15] =	ssyncadd.s32 $0xFFFFF600  }
0x13d: {  	[hbm4b:s10+s2] =	stream.linear.scatter [tilespmem:s26], [sflag:$0x2], $0xA00, $0x38;
	[tilespmem:$0x19A00] =	vst v63  }
0x13e: {  	_ =	swait.ge [sflag:s15], $0xA00  }
0x13f: {  	[sflag:s15] =	ssyncset.done $0x0  }
0x140: {  	s28 =	simm.s32 $0x17C00;
	[sflag:s15] =	ssyncadd.s32 $0xFFFFF600  }
0x141: {  	[hbm4b:s11+s2] =	stream.linear.scatter [tilespmem:s28], [sflag:$0x2], $0xA00, $0x38;
	[tilespmem:$0x19A00] =	vst v63  }
0x142: {  	_ =	swait.ge [sflag:s15], $0xA00  }
0x143: {  	[sflag:s15] =	ssyncset.done $0x0  }
0x144: {  	s29 =	simm.s32 $0x18600;
	[sflag:s15] =	ssyncadd.s32 $0xFFFFF600  }
0x145: {  	[hbm4b:s12+s2] =	stream.linear.scatter [tilespmem:s29], [sflag:$0x2], $0xA00, $0x38;
	[tilespmem:$0x19A00] =	vst v63  }
0x146: {  	s31 =	sadd.s32 $0x1, s31;
	_ =	swait.ge [sflag:s15], $0xA00  }
0x147: {  	p0 =	sne.s32 s31, s14;
	[sflag:s15] =	ssyncset.done $0x0  }
.Ltmp2:
0x148: {  	[sflag:s15] =	ssyncadd.s32 $0xFFFFF600;
	(pc) =	sbr.rel @p0 .LBB2_1-.Ltmp2, $4  }
0x149: {  	[hbm4b:s13+s2] =	stream.linear.scatter [tilespmem:s30], [sflag:$0x2], $0xA00, $0x38;
	[tilespmem:$0x19A00] =	vst v63  }
0x14a: {  	_ =	swait.ge [sflag:s15], $0xA00  }
0x14b: {  	[sflag:s15] =	ssyncset.done $0x0  }
0x14c: {  	[sflag:s15] =	ssyncadd.s32 $0xFFFFF600  }
0x14d: {  	_ =	sfence.sel $0x180000  }
0x14e: {  	[bflag:$0x0] =	sbarrier.arrive $0xFFFF  }
0x14f: {  	_ =	strace $0x90000047  }
0x150: {  	s0 =	stileid.u32;
	[bflag:$0x2] =	sbarrier.arrive $0xFFFF  }
0x151: {  	p0 =	sne.s32 s0, $0x0;
	s0 =	rddreg [dreg:$0x1]  }
0x152: {  	s0 =	sadd.s32 @!p0 $0x100000, s0  }
0x153: {  	[sflag:s0] =	ssyncadd.tile.s32 @!p0 $0x1;
	_ =	shalt  }
.Lfunc_end2:
_tile_overlayer_lowered:
.L_overlay_start_2:
0x154: {  	(tag) =	ssettag $0x2  }
0x155: {  	s0 =	rddreg [dreg:$0x0];
	s2 =	stileid.u32  }
0x156: {  	s1 =	rddreg [dreg:$0x1];
	p0 =	sne.s32 s2, $0x0  }
0x157: {  	s3 =	rddreg [dreg:$0x2];
	[bflag:$0x3] =	sbarrier.arrive $0xFFFF;
	s2 =	simm.s32 @!p0 $0x1C02  }
0x158: {  	[timem:s3], [sflag:s2] =	dma.local @!p0 [hbm:s0], s1  }
0x159: {  	s0 =	simm.s32 @!p0 $0x2  }
0x15a: {  	_ =	swait.ge @!p0 [sflag:s0], s1  }
0x15b: {  	s1 =	ssub.s32 @!p0 $0x0, s1;
	[sflag:s0] =	ssyncset.done @!p0 $0x0  }
0x15c: {  	[sflag:s0] =	ssyncadd.s32 @!p0 s1  }
0x15d: {  	[bflag:$0x3] =	sbarrier.arrive $0xFFFF  }
0x15e: {  	_ =	shalt  }

</sc_bundles>
